<compile_context>
chip_gen: v7x
topology: tpu7x:2x2x1
jax: 0.10.2.dev20260603
libtpu: 0.0.44.dev20260713+nightly
codegen_flags: <defaults>
</compile_context>

<pallas_src>
import functools
import math

import jax
import jax.numpy as jnp
from jax import lax
from jax.experimental import pallas as pl
from jax.experimental.pallas import tpu as pltpu
from jax.experimental.pallas import tpu_sc as plsc

CUTOFF = 5.0
NW = 32
LANES = 16
BLK = 2000

_MAGIC = 0x5F3759DF
_C3 = -1.0 / 6.0
_C5 = 1.0 / 120.0
_C7 = -1.0 / 5040.0
_C9 = 1.0 / 362880.0
_C11 = -1.0 / 39916800.0


def _rsqrt(d2):
    yi = lax.bitcast_convert_type(d2, jnp.int32)
    yi = jnp.int32(_MAGIC) - lax.shift_right_arithmetic(yi, jnp.int32(1))
    y = lax.bitcast_convert_type(yi, jnp.float32)
    for _ in range(3):
        y = y * (1.5 - 0.5 * d2 * y * y)
    return y


def _make_sc_call(n_edges):
    assert n_edges % (NW * BLK) == 0, n_edges
    epw = n_edges // NW
    nblk = epw // BLK
    groups = BLK // LANES

    mesh = plsc.VectorSubcoreMesh(core_axis_name="c", subcore_axis_name="s")

    @functools.partial(
        pl.kernel,
        mesh=mesh,
        compiler_params=pltpu.CompilerParams(needs_layout_passes=False),
        out_type=[
            jax.ShapeDtypeStruct((3 * n_edges,), jnp.float32),
            jax.ShapeDtypeStruct((n_edges,), jnp.float32),
            jax.ShapeDtypeStruct((n_edges,), jnp.float32),
            jax.ShapeDtypeStruct((n_edges,), jnp.int32),
        ],
        scratch_types=[
            pltpu.VMEM((BLK,), jnp.int32),
            pltpu.VMEM((BLK,), jnp.int32),
            pltpu.VMEM((BLK,), jnp.float32),
            pltpu.VMEM((BLK,), jnp.float32),
            pltpu.VMEM((BLK,), jnp.float32),
            pltpu.VMEM((BLK,), jnp.float32),
            pltpu.VMEM((BLK,), jnp.float32),
            pltpu.VMEM((BLK,), jnp.float32),
            pltpu.VMEM((3 * BLK,), jnp.float32),
            pltpu.VMEM((BLK,), jnp.float32),
            pltpu.VMEM((BLK,), jnp.float32),
            pltpu.VMEM((BLK,), jnp.int32),
            pltpu.SemaphoreType.DMA,
        ],
    )
    def sc_call(cx_hbm, cy_hbm, cz_hbm, src_hbm, dst_hbm,
                vec_hbm, dist_hbm, sw_hbm, mask_hbm,
                src_i, dst_i, sxv, syv, szv, dxv, dyv, dzv,
                vec_v, dist_v, sw_v, mask_v, sem):
        wid = lax.axis_index("s") * 2 + lax.axis_index("c")
        base = wid * epw

        iota = lax.iota(jnp.int32, LANES)
        zero_i = jnp.zeros((LANES,), jnp.int32)
        one_i = jnp.ones((LANES,), jnp.int32)
        two_i = one_i + one_i

        def block(b, carry):
            off = base + b * BLK
            pltpu.sync_copy(src_hbm.at[pl.ds(off, BLK)], src_i)
            pltpu.sync_copy(dst_hbm.at[pl.ds(off, BLK)], dst_i)
            cps = [
                pltpu.async_copy(cx_hbm.at[src_i], sxv, sem),
                pltpu.async_copy(cy_hbm.at[src_i], syv, sem),
                pltpu.async_copy(cz_hbm.at[src_i], szv, sem),
                pltpu.async_copy(cx_hbm.at[dst_i], dxv, sem),
                pltpu.async_copy(cy_hbm.at[dst_i], dyv, sem),
                pltpu.async_copy(cz_hbm.at[dst_i], dzv, sem),
            ]
            for cp in cps:
                cp.wait()

            def group(g, c2):
                sl = pl.ds(g * LANES, LANES)
                vx = dxv[sl] - sxv[sl]
                vy = dyv[sl] - syv[sl]
                vz = dzv[sl] - szv[sl]
                e3 = (g * LANES + iota) * 3
                plsc.store_scatter(vec_v, [e3], vx)
                plsc.store_scatter(vec_v, [e3 + one_i], vy)
                plsc.store_scatter(vec_v, [e3 + two_i], vz)
                d2 = vx * vx + vy * vy + vz * vz
                dist = d2 * _rsqrt(d2)
                mask = dist < CUTOFF
                u = dist * (1.0 / CUTOFF) - 0.5
                t = u * math.pi
                t2 = t * t
                p = jnp.float32(_C11)
                p = p * t2 + _C9
                p = p * t2 + _C7
                p = p * t2 + _C5
                p = p * t2 + _C3
                p = p * t2 + 1.0
                sn = t * p
                sw = jnp.where(mask, 0.5 - 0.5 * sn, 0.0)
                dist_v[sl] = dist
                sw_v[sl] = sw
                mask_v[sl] = jnp.where(mask, one_i, zero_i)
                return c2

            lax.fori_loop(0, groups, group, 0)

            pltpu.sync_copy(vec_v, vec_hbm.at[pl.ds(3 * off, 3 * BLK)])
            pltpu.sync_copy(dist_v, dist_hbm.at[pl.ds(off, BLK)])
            pltpu.sync_copy(sw_v, sw_hbm.at[pl.ds(off, BLK)])
            pltpu.sync_copy(mask_v, mask_hbm.at[pl.ds(off, BLK)])
            return carry

        lax.fori_loop(0, nblk, block, 0)

    return sc_call


@jax.jit
def kernel(coordinates, edge_src, edge_dst):
    n_edges = edge_src.shape[0]
    cx = coordinates[:, 0]
    cy = coordinates[:, 1]
    cz = coordinates[:, 2]
    vec_flat, dist, sw, mask = _make_sc_call(n_edges)(
        cx, cy, cz, edge_src, edge_dst)
    return (vec_flat.reshape(n_edges, 3), dist, sw, mask.astype(bool))

# --- scband reference (transcript-rebuilt; emitter-appended) ---
"""Pipeline reference for scband-graph-processor-86792699118155 (READ-ONLY COPY).

The authoritative reference and input builder live on the scoring server;
editing this copy changes nothing except your own understanding.
"""

import jax, jax.numpy as jnp
import numpy as np

CUTOFF = 5.0
N_NODES = 100000
N_EDGES = 3200000


def safe_sqrt(x):
    # FeNNol-style gradient-safe sqrt
    return jnp.where(x > 0.0, jnp.sqrt(jnp.where(x > 0.0, x, 1.0)), 0.0)


def switch_cosine(distances, edge_mask, cutoff):
    # Default FeNNol SwitchFunction (cosine switch, switch_start=0)
    x = distances / cutoff
    s = 0.5 * (jnp.cos(jnp.pi * x) + 1.0)
    return jnp.where(edge_mask, s, 0.0)


def setup_inputs(seed: int = 0) -> dict:
    key = jax.random.key(seed)
    k1, k2, k3 = jax.random.split(key, 3)
    # coordinates in a 50 Angstrom box so that a non-trivial fraction of edges fall within cutoff
    coordinates = jax.random.uniform(k1, (N_NODES, 3), dtype=jnp.float32) * 50.0
    edge_src = jax.random.randint(k2, (N_EDGES,), 0, N_NODES, dtype=jnp.int32)
    edge_dst = jax.random.randint(k3, (N_EDGES,), 0, N_NODES, dtype=jnp.int32)
    return {"coordinates": coordinates, "edge_src": edge_src, "edge_dst": edge_dst}


def reference(coordinates, edge_src, edge_dst):
    cutoff = CUTOFF
    # gather endpoint coordinates (fill-mode gathers, faithful to original .at[].get(mode='fill'))
    vec = coordinates.at[edge_dst].get(mode='fill', fill_value=cutoff) - coordinates.at[edge_src].get(mode='fill', fill_value=0.0)
    d2 = jnp.sum(vec ** 2, axis=-1)
    distances = safe_sqrt(d2)
    edge_mask = distances < cutoff
    switch = switch_cosine(distances, edge_mask, cutoff)
    # graph_out = {**graph, 'vec': vec, 'distances': distances, 'switch': switch, 'edge_mask': edge_mask}
    return vec, distances, switch, edge_mask

if __name__ == "__main__":
    import jax
    _d = setup_inputs()
    print(jax.jit(kernel)(*tuple(_d.values())))

</pallas_src>

<mosaic_0001>
#map = affine_map<(d0, d1) -> (0)>
module attributes {stable_mosaic.version = 14 : i64} {
  func.func @sc_call(%arg0: i32, %arg1: i32, %arg2: memref<100000xf32, #tpu.memory_space<hbm>>, %arg3: memref<100000xf32, #tpu.memory_space<hbm>>, %arg4: memref<100000xf32, #tpu.memory_space<hbm>>, %arg5: memref<3200000xi32, #tpu.memory_space<hbm>>, %arg6: memref<3200000xi32, #tpu.memory_space<hbm>>, %arg7: memref<9600000xf32, #tpu.memory_space<hbm>>, %arg8: memref<3200000xf32, #tpu.memory_space<hbm>>, %arg9: memref<3200000xf32, #tpu.memory_space<hbm>>, %arg10: memref<3200000xi32, #tpu.memory_space<hbm>>, %arg11: memref<2000xi32, #tpu.memory_space<vmem>>, %arg12: memref<2000xi32, #tpu.memory_space<vmem>>, %arg13: memref<2000xf32, #tpu.memory_space<vmem>>, %arg14: memref<2000xf32, #tpu.memory_space<vmem>>, %arg15: memref<2000xf32, #tpu.memory_space<vmem>>, %arg16: memref<2000xf32, #tpu.memory_space<vmem>>, %arg17: memref<2000xf32, #tpu.memory_space<vmem>>, %arg18: memref<2000xf32, #tpu.memory_space<vmem>>, %arg19: memref<6000xf32, #tpu.memory_space<vmem>>, %arg20: memref<2000xf32, #tpu.memory_space<vmem>>, %arg21: memref<2000xf32, #tpu.memory_space<vmem>>, %arg22: memref<2000xi32, #tpu.memory_space<vmem>>, %arg23: memref<!tpu.dma_semaphore, #tpu.memory_space<semaphore_mem>>) attributes {dimension_semantics = [#tpu.dimension_semantics<core_parallel>, #tpu.dimension_semantics<subcore_parallel>], iteration_bounds = array<i64: 2, 16>, scalar_prefetch = 0 : i64, scratch_operands = 13 : i64, tpu.core_type = #tpu.core_type<sc_vector_subcore>, window_params = [{transform_indices = #map}, {transform_indices = #map}, {transform_indices = #map}, {transform_indices = #map}, {transform_indices = #map}, {transform_indices = #map}, {transform_indices = #map}, {transform_indices = #map}, {transform_indices = #map}]} {
    %mul3A = arith.constant 2 : i32
    %mul3A_0 = arith.muli %arg1, %mul3A : i32
    %add3A = arith.addi %mul3A_0, %arg0 : i32
    %mul3A_1 = arith.constant 100000 : i32
    %mul3A_2 = arith.muli %add3A, %mul3A_1 : i32
    %iota3A = tpu.iota {dimensions = array<i32: 0>} : vector<16xi32>
    %broadcast_in_dim3A = arith.constant 0 : i32
    %broadcast_in_dim3A_3 = vector.broadcast %broadcast_in_dim3A : i32 to vector<16xi32>
    %broadcast_in_dim3A_4 = arith.constant 1 : i32
    %broadcast_in_dim3A_5 = vector.broadcast %broadcast_in_dim3A_4 : i32 to vector<16xi32>
    %add3A_6 = arith.addi %broadcast_in_dim3A_5, %broadcast_in_dim3A_5 : vector<16xi32>
    %scan3A = arith.constant 0 : i32
    %scan3A_7 = arith.constant 0 : i32
    %scan3A_8 = arith.constant 50 : i32
    %scan3A_9 = arith.addi %scan3A_7, %scan3A_8 : i32
    %scan3A_10 = arith.constant 1 : i32
    scf.for %scan3A_12 = %scan3A_7 to %scan3A_9 step %scan3A_10  : i32 {
      %mul3A_13 = arith.constant 2000 : i32
      %mul3A_14 = arith.muli %scan3A_12, %mul3A_13 : i32
      %add3A_15 = arith.addi %mul3A_2, %mul3A_14 : i32
      "tpu.region"() ({
        %run_scoped3A = tpu.sem_alloc : memref<!tpu.dma_semaphore, #tpu.memory_space<semaphore_mem>>
        %dma_start3A_46 = tpu.memref_slice %arg5[%add3A_15] : memref<3200000xi32, #tpu.memory_space<hbm>> -> memref<2000xi32, #tpu.memory_space<hbm>>
        %dma_start3A_47 = tpu.memref_slice %arg5[%add3A_15] : memref<3200000xi32, #tpu.memory_space<hbm>> -> memref<2000xi32, #tpu.memory_space<hbm>>
        tpu.enqueue_dma source(%dma_start3A_47 : memref<2000xi32, #tpu.memory_space<hbm>>) target(%arg11 : memref<2000xi32, #tpu.memory_space<vmem>>) target_semaphore(%run_scoped3A : memref<!tpu.dma_semaphore, #tpu.memory_space<semaphore_mem>>)
        %dma_wait3A_48 = tpu.memref_slice %arg5[%add3A_15] : memref<3200000xi32, #tpu.memory_space<hbm>> -> memref<2000xi32, #tpu.memory_space<hbm>>
        %dma_wait3A_49 = tpu.memref_slice %arg5[%add3A_15] : memref<3200000xi32, #tpu.memory_space<hbm>> -> memref<2000xi32, #tpu.memory_space<hbm>>
        tpu.wait_dma2 semaphore(%run_scoped3A : memref<!tpu.dma_semaphore, #tpu.memory_space<semaphore_mem>>) src(%dma_wait3A_49 : memref<2000xi32, #tpu.memory_space<hbm>>) dst(%arg11 : memref<2000xi32, #tpu.memory_space<vmem>>)
        tpu.yield
      }) : () -> ()
      "tpu.region"() ({
        %run_scoped3A = tpu.sem_alloc : memref<!tpu.dma_semaphore, #tpu.memory_space<semaphore_mem>>
        %dma_start3A_46 = tpu.memref_slice %arg6[%add3A_15] : memref<3200000xi32, #tpu.memory_space<hbm>> -> memref<2000xi32, #tpu.memory_space<hbm>>
        %dma_start3A_47 = tpu.memref_slice %arg6[%add3A_15] : memref<3200000xi32, #tpu.memory_space<hbm>> -> memref<2000xi32, #tpu.memory_space<hbm>>
        tpu.enqueue_dma source(%dma_start3A_47 : memref<2000xi32, #tpu.memory_space<hbm>>) target(%arg12 : memref<2000xi32, #tpu.memory_space<vmem>>) target_semaphore(%run_scoped3A : memref<!tpu.dma_semaphore, #tpu.memory_space<semaphore_mem>>)
        %dma_wait3A_48 = tpu.memref_slice %arg6[%add3A_15] : memref<3200000xi32, #tpu.memory_space<hbm>> -> memref<2000xi32, #tpu.memory_space<hbm>>
        %dma_wait3A_49 = tpu.memref_slice %arg6[%add3A_15] : memref<3200000xi32, #tpu.memory_space<hbm>> -> memref<2000xi32, #tpu.memory_space<hbm>>
        tpu.wait_dma2 semaphore(%run_scoped3A : memref<!tpu.dma_semaphore, #tpu.memory_space<semaphore_mem>>) src(%dma_wait3A_49 : memref<2000xi32, #tpu.memory_space<hbm>>) dst(%arg12 : memref<2000xi32, #tpu.memory_space<vmem>>)
        tpu.yield
      }) : () -> ()
      %dma_start3A = arith.constant 0 : i32
      %dma_start3A_16 = tpu.memref_slice %arg2[%dma_start3A] : memref<100000xf32, #tpu.memory_space<hbm>> -> memref<100000xf32, #tpu.memory_space<hbm>>
      tpu.enqueue_indirect_dma source(%dma_start3A_16 : memref<100000xf32, #tpu.memory_space<hbm>>) target(%arg13 : memref<2000xf32, #tpu.memory_space<vmem>>) offsets(%arg11 : memref<2000xi32, #tpu.memory_space<vmem>>) semaphore(%arg23 : memref<!tpu.dma_semaphore, #tpu.memory_space<semaphore_mem>>)
      %dma_start3A_17 = arith.constant 0 : i32
      %dma_start3A_18 = tpu.memref_slice %arg3[%dma_start3A_17] : memref<100000xf32, #tpu.memory_space<hbm>> -> memref<100000xf32, #tpu.memory_space<hbm>>
      tpu.enqueue_indirect_dma source(%dma_start3A_18 : memref<100000xf32, #tpu.memory_space<hbm>>) target(%arg14 : memref<2000xf32, #tpu.memory_space<vmem>>) offsets(%arg11 : memref<2000xi32, #tpu.memory_space<vmem>>) semaphore(%arg23 : memref<!tpu.dma_semaphore, #tpu.memory_space<semaphore_mem>>)
      %dma_start3A_19 = arith.constant 0 : i32
      %dma_start3A_20 = tpu.memref_slice %arg4[%dma_start3A_19] : memref<100000xf32, #tpu.memory_space<hbm>> -> memref<100000xf32, #tpu.memory_space<hbm>>
      tpu.enqueue_indirect_dma source(%dma_start3A_20 : memref<100000xf32, #tpu.memory_space<hbm>>) target(%arg15 : memref<2000xf32, #tpu.memory_space<vmem>>) offsets(%arg11 : memref<2000xi32, #tpu.memory_space<vmem>>) semaphore(%arg23 : memref<!tpu.dma_semaphore, #tpu.memory_space<semaphore_mem>>)
      %dma_start3A_21 = arith.constant 0 : i32
      %dma_start3A_22 = tpu.memref_slice %arg2[%dma_start3A_21] : memref<100000xf32, #tpu.memory_space<hbm>> -> memref<100000xf32, #tpu.memory_space<hbm>>
      tpu.enqueue_indirect_dma source(%dma_start3A_22 : memref<100000xf32, #tpu.memory_space<hbm>>) target(%arg16 : memref<2000xf32, #tpu.memory_space<vmem>>) offsets(%arg12 : memref<2000xi32, #tpu.memory_space<vmem>>) semaphore(%arg23 : memref<!tpu.dma_semaphore, #tpu.memory_space<semaphore_mem>>)
      %dma_start3A_23 = arith.constant 0 : i32
      %dma_start3A_24 = tpu.memref_slice %arg3[%dma_start3A_23] : memref<100000xf32, #tpu.memory_space<hbm>> -> memref<100000xf32, #tpu.memory_space<hbm>>
      tpu.enqueue_indirect_dma source(%dma_start3A_24 : memref<100000xf32, #tpu.memory_space<hbm>>) target(%arg17 : memref<2000xf32, #tpu.memory_space<vmem>>) offsets(%arg12 : memref<2000xi32, #tpu.memory_space<vmem>>) semaphore(%arg23 : memref<!tpu.dma_semaphore, #tpu.memory_space<semaphore_mem>>)
      %dma_start3A_25 = arith.constant 0 : i32
      %dma_start3A_26 = tpu.memref_slice %arg4[%dma_start3A_25] : memref<100000xf32, #tpu.memory_space<hbm>> -> memref<100000xf32, #tpu.memory_space<hbm>>
      tpu.enqueue_indirect_dma source(%dma_start3A_26 : memref<100000xf32, #tpu.memory_space<hbm>>) target(%arg18 : memref<2000xf32, #tpu.memory_space<vmem>>) offsets(%arg12 : memref<2000xi32, #tpu.memory_space<vmem>>) semaphore(%arg23 : memref<!tpu.dma_semaphore, #tpu.memory_space<semaphore_mem>>)
      %dma_wait3A = arith.constant 0 : i32
      %dma_wait3A_27 = tpu.memref_slice %arg2[%dma_wait3A] : memref<100000xf32, #tpu.memory_space<hbm>> -> memref<100000xf32, #tpu.memory_space<hbm>>
      tpu.wait_indirect_dma semaphore(%arg23 : memref<!tpu.dma_semaphore, #tpu.memory_space<semaphore_mem>>) src(%dma_wait3A_27 : memref<100000xf32, #tpu.memory_space<hbm>>) dst(%arg13 : memref<2000xf32, #tpu.memory_space<vmem>>)
      %dma_wait3A_28 = arith.constant 0 : i32
      %dma_wait3A_29 = tpu.memref_slice %arg3[%dma_wait3A_28] : memref<100000xf32, #tpu.memory_space<hbm>> -> memref<100000xf32, #tpu.memory_space<hbm>>
      tpu.wait_indirect_dma semaphore(%arg23 : memref<!tpu.dma_semaphore, #tpu.memory_space<semaphore_mem>>) src(%dma_wait3A_29 : memref<100000xf32, #tpu.memory_space<hbm>>) dst(%arg14 : memref<2000xf32, #tpu.memory_space<vmem>>)
      %dma_wait3A_30 = arith.constant 0 : i32
      %dma_wait3A_31 = tpu.memref_slice %arg4[%dma_wait3A_30] : memref<100000xf32, #tpu.memory_space<hbm>> -> memref<100000xf32, #tpu.memory_space<hbm>>
      tpu.wait_indirect_dma semaphore(%arg23 : memref<!tpu.dma_semaphore, #tpu.memory_space<semaphore_mem>>) src(%dma_wait3A_31 : memref<100000xf32, #tpu.memory_space<hbm>>) dst(%arg15 : memref<2000xf32, #tpu.memory_space<vmem>>)
      %dma_wait3A_32 = arith.constant 0 : i32
      %dma_wait3A_33 = tpu.memref_slice %arg2[%dma_wait3A_32] : memref<100000xf32, #tpu.memory_space<hbm>> -> memref<100000xf32, #tpu.memory_space<hbm>>
      tpu.wait_indirect_dma semaphore(%arg23 : memref<!tpu.dma_semaphore, #tpu.memory_space<semaphore_mem>>) src(%dma_wait3A_33 : memref<100000xf32, #tpu.memory_space<hbm>>) dst(%arg16 : memref<2000xf32, #tpu.memory_space<vmem>>)
      %dma_wait3A_34 = arith.constant 0 : i32
      %dma_wait3A_35 = tpu.memref_slice %arg3[%dma_wait3A_34] : memref<100000xf32, #tpu.memory_space<hbm>> -> memref<100000xf32, #tpu.memory_space<hbm>>
      tpu.wait_indirect_dma semaphore(%arg23 : memref<!tpu.dma_semaphore, #tpu.memory_space<semaphore_mem>>) src(%dma_wait3A_35 : memref<100000xf32, #tpu.memory_space<hbm>>) dst(%arg17 : memref<2000xf32, #tpu.memory_space<vmem>>)
      %dma_wait3A_36 = arith.constant 0 : i32
      %dma_wait3A_37 = tpu.memref_slice %arg4[%dma_wait3A_36] : memref<100000xf32, #tpu.memory_space<hbm>> -> memref<100000xf32, #tpu.memory_space<hbm>>
      tpu.wait_indirect_dma semaphore(%arg23 : memref<!tpu.dma_semaphore, #tpu.memory_space<semaphore_mem>>) src(%dma_wait3A_37 : memref<100000xf32, #tpu.memory_space<hbm>>) dst(%arg18 : memref<2000xf32, #tpu.memory_space<vmem>>)
      %scan3A_38 = arith.constant 0 : i32
      %scan3A_39 = arith.constant 0 : i32
      %scan3A_40 = arith.constant 125 : i32
      %scan3A_41 = arith.addi %scan3A_39, %scan3A_40 : i32
      %scan3A_42 = arith.constant 1 : i32
      scf.for %scan3A_46 = %scan3A_39 to %scan3A_41 step %scan3A_42  : i32 {
        %mul3A_47 = arith.constant 16 : i32
        %mul3A_48 = arith.muli %scan3A_46, %mul3A_47 : i32
        %get3A = arith.index_cast %mul3A_48 : i32 to index
        %get3A_49 = tpu.vector_load %arg16[%get3A] {strides = array<i32>} : memref<2000xf32, #tpu.memory_space<vmem>>, vector<16xf32>,
        %get3A_50 = arith.index_cast %mul3A_48 : i32 to index
        %get3A_51 = tpu.vector_load %arg13[%get3A_50] {strides = array<i32>} : memref<2000xf32, #tpu.memory_space<vmem>>, vector<16xf32>,
        %sub3A = arith.subf %get3A_49, %get3A_51 : vector<16xf32>
        %get3A_52 = arith.index_cast %mul3A_48 : i32 to index
        %get3A_53 = tpu.vector_load %arg17[%get3A_52] {strides = array<i32>} : memref<2000xf32, #tpu.memory_space<vmem>>, vector<16xf32>,
        %get3A_54 = arith.index_cast %mul3A_48 : i32 to index
        %get3A_55 = tpu.vector_load %arg14[%get3A_54] {strides = array<i32>} : memref<2000xf32, #tpu.memory_space<vmem>>, vector<16xf32>,
        %sub3A_56 = arith.subf %get3A_53, %get3A_55 : vector<16xf32>
        %get3A_57 = arith.index_cast %mul3A_48 : i32 to index
        %get3A_58 = tpu.vector_load %arg18[%get3A_57] {strides = array<i32>} : memref<2000xf32, #tpu.memory_space<vmem>>, vector<16xf32>,
        %get3A_59 = arith.index_cast %mul3A_48 : i32 to index
        %get3A_60 = tpu.vector_load %arg15[%get3A_59] {strides = array<i32>} : memref<2000xf32, #tpu.memory_space<vmem>>, vector<16xf32>,
        %sub3A_61 = arith.subf %get3A_58, %get3A_60 : vector<16xf32>
        %mul3A_62 = arith.constant 16 : i32
        %mul3A_63 = arith.muli %scan3A_46, %mul3A_62 : i32
        %add3A_64 = vector.broadcast %mul3A_63 : i32 to vector<16xi32>
        %add3A_65 = arith.addi %add3A_64, %iota3A : vector<16xi32>
        %mul3A_66 = arith.constant 3 : i32
        %mul3A_67 = vector.broadcast %mul3A_66 : i32 to vector<16xi32>
        %mul3A_68 = arith.muli %add3A_65, %mul3A_67 : vector<16xi32>
        tpu.vector_store_idx %arg19[%mul3A_68], %sub3A : memref<6000xf32, #tpu.memory_space<vmem>>[vector<16xi32>], vector<16xf32>,
        %add3A_69 = arith.addi %mul3A_68, %broadcast_in_dim3A_5 : vector<16xi32>
        tpu.vector_store_idx %arg19[%add3A_69], %sub3A_56 : memref<6000xf32, #tpu.memory_space<vmem>>[vector<16xi32>], vector<16xf32>,
        %add3A_70 = arith.addi %mul3A_68, %add3A_6 : vector<16xi32>
        tpu.vector_store_idx %arg19[%add3A_70], %sub3A_61 : memref<6000xf32, #tpu.memory_space<vmem>>[vector<16xi32>], vector<16xf32>,
        %mul3A_71 = arith.mulf %sub3A, %sub3A : vector<16xf32>
        %mul3A_72 = arith.mulf %sub3A_56, %sub3A_56 : vector<16xf32>
        %add3A_73 = arith.addf %mul3A_71, %mul3A_72 : vector<16xf32>
        %mul3A_74 = arith.mulf %sub3A_61, %sub3A_61 : vector<16xf32>
        %add3A_75 = arith.addf %add3A_73, %mul3A_74 : vector<16xf32>
        %bitcast_convert_type3A = tpu.bitcast %add3A_75 : vector<16xf32> -> vector<16xi32>
        %shift_right_arithmetic3A = arith.constant 1 : i32
        %shift_right_arithmetic3A_76 = vector.broadcast %shift_right_arithmetic3A : i32 to vector<16xi32>
        %shift_right_arithmetic3A_77 = arith.shrsi %bitcast_convert_type3A, %shift_right_arithmetic3A_76 : vector<16xi32>
        %sub3A_78 = arith.constant 1597463007 : i32
        %sub3A_79 = vector.broadcast %sub3A_78 : i32 to vector<16xi32>
        %sub3A_80 = arith.subi %sub3A_79, %shift_right_arithmetic3A_77 : vector<16xi32>
        %bitcast_convert_type3A_81 = tpu.bitcast %sub3A_80 : vector<16xi32> -> vector<16xf32>
        %mul3A_82 = arith.constant 5.000000e-01 : f32
        %mul3A_83 = vector.broadcast %mul3A_82 : f32 to vector<16xf32>
        %mul3A_84 = arith.mulf %mul3A_83, %add3A_75 : vector<16xf32>
        %mul3A_85 = arith.mulf %mul3A_84, %bitcast_convert_type3A_81 : vector<16xf32>
        %mul3A_86 = arith.mulf %mul3A_85, %bitcast_convert_type3A_81 : vector<16xf32>
        %sub3A_87 = arith.constant 1.500000e+00 : f32
        %sub3A_88 = vector.broadcast %sub3A_87 : f32 to vector<16xf32>
        %sub3A_89 = arith.subf %sub3A_88, %mul3A_86 : vector<16xf32>
        %mul3A_90 = arith.mulf %bitcast_convert_type3A_81, %sub3A_89 : vector<16xf32>
        %mul3A_91 = arith.constant 5.000000e-01 : f32
        %mul3A_92 = vector.broadcast %mul3A_91 : f32 to vector<16xf32>
        %mul3A_93 = arith.mulf %mul3A_92, %add3A_75 : vector<16xf32>
        %mul3A_94 = arith.mulf %mul3A_93, %mul3A_90 : vector<16xf32>
        %mul3A_95 = arith.mulf %mul3A_94, %mul3A_90 : vector<16xf32>
        %sub3A_96 = arith.constant 1.500000e+00 : f32
        %sub3A_97 = vector.broadcast %sub3A_96 : f32 to vector<16xf32>
        %sub3A_98 = arith.subf %sub3A_97, %mul3A_95 : vector<16xf32>
        %mul3A_99 = arith.mulf %mul3A_90, %sub3A_98 : vector<16xf32>
        %mul3A_100 = arith.constant 5.000000e-01 : f32
        %mul3A_101 = vector.broadcast %mul3A_100 : f32 to vector<16xf32>
        %mul3A_102 = arith.mulf %mul3A_101, %add3A_75 : vector<16xf32>
        %mul3A_103 = arith.mulf %mul3A_102, %mul3A_99 : vector<16xf32>
        %mul3A_104 = arith.mulf %mul3A_103, %mul3A_99 : vector<16xf32>
        %sub3A_105 = arith.constant 1.500000e+00 : f32
        %sub3A_106 = vector.broadcast %sub3A_105 : f32 to vector<16xf32>
        %sub3A_107 = arith.subf %sub3A_106, %mul3A_104 : vector<16xf32>
        %mul3A_108 = arith.mulf %mul3A_99, %sub3A_107 : vector<16xf32>
        %mul3A_109 = arith.mulf %add3A_75, %mul3A_108 : vector<16xf32>
        %lt3A = arith.constant 5.000000e+00 : f32
        %lt3A_110 = vector.broadcast %lt3A : f32 to vector<16xf32>
        %lt3A_111 = arith.cmpf olt, %mul3A_109, %lt3A_110 : vector<16xf32>
        %mul3A_112 = arith.constant 2.000000e-01 : f32
        %mul3A_113 = vector.broadcast %mul3A_112 : f32 to vector<16xf32>
        %mul3A_114 = arith.mulf %mul3A_109, %mul3A_113 : vector<16xf32>
        %sub3A_115 = arith.constant 5.000000e-01 : f32
        %sub3A_116 = vector.broadcast %sub3A_115 : f32 to vector<16xf32>
        %sub3A_117 = arith.subf %mul3A_114, %sub3A_116 : vector<16xf32>
        %mul3A_118 = arith.constant 3.14159274 : f32
        %mul3A_119 = vector.broadcast %mul3A_118 : f32 to vector<16xf32>
        %mul3A_120 = arith.mulf %sub3A_117, %mul3A_119 : vector<16xf32>
        %mul3A_121 = arith.mulf %mul3A_120, %mul3A_120 : vector<16xf32>
        %mul3A_122 = arith.constant -2.50521079E-8 : f32
        %mul3A_123 = vector.broadcast %mul3A_122 : f32 to vector<16xf32>
        %mul3A_124 = arith.mulf %mul3A_123, %mul3A_121 : vector<16xf32>
        %add3A_125 = arith.constant 2.75573188E-6 : f32
        %add3A_126 = vector.broadcast %add3A_125 : f32 to vector<16xf32>
        %add3A_127 = arith.addf %mul3A_124, %add3A_126 : vector<16xf32>
        %mul3A_128 = arith.mulf %add3A_127, %mul3A_121 : vector<16xf32>
        %add3A_129 = arith.constant -1.98412701E-4 : f32
        %add3A_130 = vector.broadcast %add3A_129 : f32 to vector<16xf32>
        %add3A_131 = arith.addf %mul3A_128, %add3A_130 : vector<16xf32>
        %mul3A_132 = arith.mulf %add3A_131, %mul3A_121 : vector<16xf32>
        %add3A_133 = arith.constant 0.00833333377 : f32
        %add3A_134 = vector.broadcast %add3A_133 : f32 to vector<16xf32>
        %add3A_135 = arith.addf %mul3A_132, %add3A_134 : vector<16xf32>
        %mul3A_136 = arith.mulf %add3A_135, %mul3A_121 : vector<16xf32>
        %add3A_137 = arith.constant -0.166666672 : f32
        %add3A_138 = vector.broadcast %add3A_137 : f32 to vector<16xf32>
        %add3A_139 = arith.addf %mul3A_136, %add3A_138 : vector<16xf32>
        %mul3A_140 = arith.mulf %add3A_139, %mul3A_121 : vector<16xf32>
        %add3A_141 = arith.constant 1.000000e+00 : f32
        %add3A_142 = vector.broadcast %add3A_141 : f32 to vector<16xf32>
        %add3A_143 = arith.addf %mul3A_140, %add3A_142 : vector<16xf32>
        %mul3A_144 = arith.mulf %mul3A_120, %add3A_143 : vector<16xf32>
        %mul3A_145 = arith.constant 5.000000e-01 : f32
        %mul3A_146 = vector.broadcast %mul3A_145 : f32 to vector<16xf32>
        %mul3A_147 = arith.mulf %mul3A_146, %mul3A_144 : vector<16xf32>
        %sub3A_148 = arith.constant 5.000000e-01 : f32
        %sub3A_149 = vector.broadcast %sub3A_148 : f32 to vector<16xf32>
        %sub3A_150 = arith.subf %sub3A_149, %mul3A_147 : vector<16xf32>
        %jit3A = arith.constant 0.000000e+00 : f32
        %broadcast_in_dim3A_151 = vector.broadcast %jit3A : f32 to vector<16xf32>
        %select_n3A = arith.select %lt3A_111, %sub3A_150, %broadcast_in_dim3A_151 : vector<16xi1>, vector<16xf32>
        %swap3A = arith.index_cast %mul3A_48 : i32 to index
        %swap3A_152 = tpu.vector_load %arg20[%swap3A] {strides = array<i32>} : memref<2000xf32, #tpu.memory_space<vmem>>, vector<16xf32>,
        tpu.vector_store %arg20[%swap3A], %mul3A_109 {strides = array<i32>} : memref<2000xf32, #tpu.memory_space<vmem>>, vector<16xf32>,
        %swap3A_153 = arith.index_cast %mul3A_48 : i32 to index
        %swap3A_154 = tpu.vector_load %arg21[%swap3A_153] {strides = array<i32>} : memref<2000xf32, #tpu.memory_space<vmem>>, vector<16xf32>,
        tpu.vector_store %arg21[%swap3A_153], %select_n3A {strides = array<i32>} : memref<2000xf32, #tpu.memory_space<vmem>>, vector<16xf32>,
        %select_n3A_155 = arith.select %lt3A_111, %broadcast_in_dim3A_5, %broadcast_in_dim3A_3 : vector<16xi1>, vector<16xi32>
        %swap3A_156 = arith.index_cast %mul3A_48 : i32 to index
        %swap3A_157 = tpu.vector_load %arg22[%swap3A_156] {strides = array<i32>} : memref<2000xi32, #tpu.memory_space<vmem>>, vector<16xi32>,
        tpu.vector_store %arg22[%swap3A_156], %select_n3A_155 {strides = array<i32>} : memref<2000xi32, #tpu.memory_space<vmem>>, vector<16xi32>,
      }
      %scan3A_43 = arith.constant 125 : i32
      %mul3A_44 = arith.constant 3 : i32
      %mul3A_45 = arith.muli %mul3A_44, %add3A_15 : i32
      "tpu.region"() ({
        %run_scoped3A = tpu.sem_alloc : memref<!tpu.dma_semaphore, #tpu.memory_space<semaphore_mem>>
        %dma_start3A_46 = tpu.memref_slice %arg7[%mul3A_45] : memref<9600000xf32, #tpu.memory_space<hbm>> -> memref<6000xf32, #tpu.memory_space<hbm>>
        %dma_start3A_47 = tpu.memref_slice %arg7[%mul3A_45] : memref<9600000xf32, #tpu.memory_space<hbm>> -> memref<6000xf32, #tpu.memory_space<hbm>>
        tpu.enqueue_dma source(%arg19 : memref<6000xf32, #tpu.memory_space<vmem>>) target(%dma_start3A_47 : memref<6000xf32, #tpu.memory_space<hbm>>) target_semaphore(%run_scoped3A : memref<!tpu.dma_semaphore, #tpu.memory_space<semaphore_mem>>)
        %dma_wait3A_48 = tpu.memref_slice %arg7[%mul3A_45] : memref<9600000xf32, #tpu.memory_space<hbm>> -> memref<6000xf32, #tpu.memory_space<hbm>>
        %dma_wait3A_49 = tpu.memref_slice %arg7[%mul3A_45] : memref<9600000xf32, #tpu.memory_space<hbm>> -> memref<6000xf32, #tpu.memory_space<hbm>>
        tpu.wait_dma2 semaphore(%run_scoped3A : memref<!tpu.dma_semaphore, #tpu.memory_space<semaphore_mem>>) src(%arg19 : memref<6000xf32, #tpu.memory_space<vmem>>) dst(%dma_wait3A_49 : memref<6000xf32, #tpu.memory_space<hbm>>)
        tpu.yield
      }) : () -> ()
      "tpu.region"() ({
        %run_scoped3A = tpu.sem_alloc : memref<!tpu.dma_semaphore, #tpu.memory_space<semaphore_mem>>
        %dma_start3A_46 = tpu.memref_slice %arg8[%add3A_15] : memref<3200000xf32, #tpu.memory_space<hbm>> -> memref<2000xf32, #tpu.memory_space<hbm>>
        %dma_start3A_47 = tpu.memref_slice %arg8[%add3A_15] : memref<3200000xf32, #tpu.memory_space<hbm>> -> memref<2000xf32, #tpu.memory_space<hbm>>
        tpu.enqueue_dma source(%arg20 : memref<2000xf32, #tpu.memory_space<vmem>>) target(%dma_start3A_47 : memref<2000xf32, #tpu.memory_space<hbm>>) target_semaphore(%run_scoped3A : memref<!tpu.dma_semaphore, #tpu.memory_space<semaphore_mem>>)
        %dma_wait3A_48 = tpu.memref_slice %arg8[%add3A_15] : memref<3200000xf32, #tpu.memory_space<hbm>> -> memref<2000xf32, #tpu.memory_space<hbm>>
        %dma_wait3A_49 = tpu.memref_slice %arg8[%add3A_15] : memref<3200000xf32, #tpu.memory_space<hbm>> -> memref<2000xf32, #tpu.memory_space<hbm>>
        tpu.wait_dma2 semaphore(%run_scoped3A : memref<!tpu.dma_semaphore, #tpu.memory_space<semaphore_mem>>) src(%arg20 : memref<2000xf32, #tpu.memory_space<vmem>>) dst(%dma_wait3A_49 : memref<2000xf32, #tpu.memory_space<hbm>>)
        tpu.yield
      }) : () -> ()
      "tpu.region"() ({
        %run_scoped3A = tpu.sem_alloc : memref<!tpu.dma_semaphore, #tpu.memory_space<semaphore_mem>>
        %dma_start3A_46 = tpu.memref_slice %arg9[%add3A_15] : memref<3200000xf32, #tpu.memory_space<hbm>> -> memref<2000xf32, #tpu.memory_space<hbm>>
        %dma_start3A_47 = tpu.memref_slice %arg9[%add3A_15] : memref<3200000xf32, #tpu.memory_space<hbm>> -> memref<2000xf32, #tpu.memory_space<hbm>>
        tpu.enqueue_dma source(%arg21 : memref<2000xf32, #tpu.memory_space<vmem>>) target(%dma_start3A_47 : memref<2000xf32, #tpu.memory_space<hbm>>) target_semaphore(%run_scoped3A : memref<!tpu.dma_semaphore, #tpu.memory_space<semaphore_mem>>)
        %dma_wait3A_48 = tpu.memref_slice %arg9[%add3A_15] : memref<3200000xf32, #tpu.memory_space<hbm>> -> memref<2000xf32, #tpu.memory_space<hbm>>
        %dma_wait3A_49 = tpu.memref_slice %arg9[%add3A_15] : memref<3200000xf32, #tpu.memory_space<hbm>> -> memref<2000xf32, #tpu.memory_space<hbm>>
        tpu.wait_dma2 semaphore(%run_scoped3A : memref<!tpu.dma_semaphore, #tpu.memory_space<semaphore_mem>>) src(%arg21 : memref<2000xf32, #tpu.memory_space<vmem>>) dst(%dma_wait3A_49 : memref<2000xf32, #tpu.memory_space<hbm>>)
        tpu.yield
      }) : () -> ()
      "tpu.region"() ({
        %run_scoped3A = tpu.sem_alloc : memref<!tpu.dma_semaphore, #tpu.memory_space<semaphore_mem>>
        %dma_start3A_46 = tpu.memref_slice %arg10[%add3A_15] : memref<3200000xi32, #tpu.memory_space<hbm>> -> memref<2000xi32, #tpu.memory_space<hbm>>
        %dma_start3A_47 = tpu.memref_slice %arg10[%add3A_15] : memref<3200000xi32, #tpu.memory_space<hbm>> -> memref<2000xi32, #tpu.memory_space<hbm>>
        tpu.enqueue_dma source(%arg22 : memref<2000xi32, #tpu.memory_space<vmem>>) target(%dma_start3A_47 : memref<2000xi32, #tpu.memory_space<hbm>>) target_semaphore(%run_scoped3A : memref<!tpu.dma_semaphore, #tpu.memory_space<semaphore_mem>>)
        %dma_wait3A_48 = tpu.memref_slice %arg10[%add3A_15] : memref<3200000xi32, #tpu.memory_space<hbm>> -> memref<2000xi32, #tpu.memory_space<hbm>>
        %dma_wait3A_49 = tpu.memref_slice %arg10[%add3A_15] : memref<3200000xi32, #tpu.memory_space<hbm>> -> memref<2000xi32, #tpu.memory_space<hbm>>
        tpu.wait_dma2 semaphore(%run_scoped3A : memref<!tpu.dma_semaphore, #tpu.memory_space<semaphore_mem>>) src(%arg22 : memref<2000xi32, #tpu.memory_space<vmem>>) dst(%dma_wait3A_49 : memref<2000xi32, #tpu.memory_space<hbm>>)
        tpu.yield
      }) : () -> ()
    }
    %scan3A_11 = arith.constant 50 : i32
    return
  }
}

</mosaic_0001>

<sc_bundles>
// kernel: kernel.3.cloned.1.call-start
scs
__scs_entry_jumppad:
0x0: {  	(pc) =	sbr.rel $0x88, $3  }
0x1: {  	(tag) =	ssettag $0x0;
	lr =	simm.s32 $0x1  }
0x2: {  	[smem:$0x3F9E] =	sst lr;
	_ =	strace $0xD0000000  }
0x3: {  	_ = 	snop  }
0x4: {  	_ = 	snop  }
0x5: {  	_ = 	snop  }
0x6: {  	_ = 	snop  }
0x7: {  	_ = 	snop  }
__scs_overlays_trampoline_lowered:
0x8: {  	[smem:$0x3FAD] =	sst s0  }
0x9: {  	[smem:$0x3FAE] =	sst s1  }
0xa: {  	[smem:$0x3FAF] =	sst s2  }
0xb: {  	[smem:$0x3FB0] =	sst s3  }
0xc: {  	[smem:$0x3FB1] =	sst s4  }
0xd: {  	[smem:$0x3FB2] =	sst s5  }
0xe: {  	[smem:$0x3FB3] =	sst s6  }
0xf: {  	[smem:$0x3FB4] =	sst s7  }
0x10: {  	[smem:$0x3FB5] =	sst s8  }
0x11: {  	[smem:$0x3FB6] =	sst s9;
	s0 =	simm.s32 @!p0 $0x0  }
0x12: {  	s1 =	sld [smem:$0x3F9C];
	s0 =	simm.s32 @p0 $0x1  }
0x13: {  	[smem:$0x3FB7] =	sst s0;
	s0 =	simm.s32 @!p1 $0x0  }
0x14: {  	s2 =	sld [smem:$0x3F9B];
	s0 =	simm.s32 @p1 $0x1  }
0x15: {  	[smem:$0x3FB8] =	sst s0;
	s0 =	simm.s32 @!p2 $0x0  }
0x16: {  	s3 =	sld [smem:$0x3FDB];
	s0 =	simm.s32 @p2 $0x1  }
0x17: {  	s4 =	simm.s32 $0x1BF5;
	[smem:$0x3FBA] =	sst s0  }
0x18: {  	s0 =	sld [smem:$0x3F9D];
	_ =	swait.ge [sflag:s4], $0x0  }
0x19: {  	s7 =	sld [smem:$0x3F9E]  }
0x1a: {  	s8 =	sadd.s32 $0xFFFFE003, lr  }
0x1b: {  	s9 =	sadd.s32 $0xFFFFFEF7, lr;
	s5 =	simm.s32 $0xFFFFFFFF;
	p2 =	slt.u32 s8, $0xFFFFF086  }
0x1c: {  	p1 =	slt.u32 s9, $0xF7A;
	s5 =	simm.s32 @!p2 $0x0  }
0x1d: {  	s5 =	simm.s32 @p1 $0x1;
	p0 =	seq.s32 s7, s2  }
0x1e: {  	s7 =	smul.u32 @!p0 $0xF7A, s2;
	p2 =	seq.s32 @!p0 s5, $0x0  }
0x1f: {  	s9 =	smul.u32 $0xF7A, s1;
	s8 =	simm.s32 @!p0 $0x1BF5;
	p2 =	por !p2, p0  }
0x20: {  	[sflag:s8] =	ssyncset.s32 @!p0 $0xFFFFF086;
	s6 =	sadd.s32 @!p0 s3, s7;
	s7 =	simm.s32 @!p0 $0x108  }
0x21: {  	s3 =	sadd.s32 s3, s9;
	s6 =	sadd.s32 @!p0 $0x88, s6;
	s7 =	simm.s32 @p2 $0x1082  }
0x22: {  	[simem:s7], [sflag:s8] =	dma.local @!p0 [hbm:s6], $0xF7A  }
0x23: {  	s9 =	sor.u32 $0xD0000000, s2;
	s6 =	simm.s32 $0x108;
	_ =	swait.ge @!p0 [sflag:s8], $0x0  }
0x24: {  	s3 =	sadd.s32 $0x88, s3;
	s6 =	simm.s32 @!p1 $0x1082;
	[sflag:s4] =	ssyncset.s32 $0xFFFFF086  }
0x25: {  	[simem:s6], [sflag:s4] =	dma.local [hbm:s3], $0xF7A  }
0x26: {  	[smem:$0x3F9E] =	sst s1;
	(tag) =	ssettag s2;
	_ =	strace s9  }
0x27: {  	s1 =	sld [smem:$0x3FAE]  }
0x28: {  	s2 =	sld [smem:$0x3FAF]  }
0x29: {  	s4 =	sld [smem:$0x3FB1]  }
0x2a: {  	p0 =	seq.s32 s5, $0x0;
	s5 =	sld [smem:$0x3FB2]  }
0x2b: {  	s6 =	sld [smem:$0x3FB3]  }
0x2c: {  	s7 =	sld [smem:$0x3FB4]  }
0x2d: {  	s3 =	simm.s32 $0x108;
	s8 =	sld [smem:$0x3FB5]  }
0x2e: {  	s3 =	simm.s32 @!p0 $0x1082;
	s9 =	sld [smem:$0x3FB6]  }
0x2f: {  	lr =	sadd.s32 s0, s3;
	s0 =	sld [smem:$0x3FAD]  }
0x30: {  	s3 =	sld [smem:$0x3FB0]  }
0x31: {  	[smem:$0x3FB9] =	sst s10  }
0x32: {  	s10 =	sld [smem:$0x3FB7];
	_ =	sdelay $0x3  }
0x33: {  	p0 =	seq.s32 s10, $0x1;
	s10 =	sld [smem:$0x3FB9];
	_ =	sdelay $0x3  }
0x34: {  	[smem:$0x3FB9] =	sst s10  }
0x35: {  	s10 =	sld [smem:$0x3FB8];
	_ =	sdelay $0x3  }
0x36: {  	p1 =	seq.s32 s10, $0x1;
	s10 =	sld [smem:$0x3FB9];
	_ =	sdelay $0x3  }
0x37: {  	[smem:$0x3FB9] =	sst s10  }
0x38: {  	s10 =	sld [smem:$0x3FBA]  }
0x39: {  	_ = 	snop;
	(pc) =	sbr.ind lr, $3  }
0x3a: {  	_ = 	snop  }
0x3b: {  	_ = 	snop  }
0x3c: {  	p2 =	seq.s32 s10, $0x1;
	s10 =	sld [smem:$0x3FB9]  }
0x3d: {  	_ =	shalt  }
0x3e: {  	_ =	shalt  }
0x3f: {  	_ =	shalt  }
0x40: {  	_ =	shalt  }
0x41: {  	_ =	shalt  }
0x42: {  	_ =	shalt  }
0x43: {  	_ =	shalt  }
0x44: {  	_ =	shalt  }
0x45: {  	_ =	shalt  }
0x46: {  	_ =	shalt  }
0x47: {  	_ =	shalt  }
0x48: {  	_ =	shalt  }
0x49: {  	_ =	shalt  }
0x4a: {  	_ =	shalt  }
0x4b: {  	_ =	shalt  }
0x4c: {  	_ =	shalt  }
0x4d: {  	_ =	shalt  }
0x4e: {  	_ =	shalt  }
0x4f: {  	_ =	shalt  }
0x50: {  	_ =	shalt  }
0x51: {  	_ =	shalt  }
0x52: {  	_ =	shalt  }
0x53: {  	_ =	shalt  }
0x54: {  	_ =	shalt  }
0x55: {  	_ =	shalt  }
0x56: {  	_ =	shalt  }
0x57: {  	_ =	shalt  }
0x58: {  	_ =	shalt  }
0x59: {  	_ =	shalt  }
0x5a: {  	_ =	shalt  }
0x5b: {  	_ =	shalt  }
0x5c: {  	_ =	shalt  }
0x5d: {  	_ =	shalt  }
0x5e: {  	_ =	shalt  }
0x5f: {  	_ =	shalt  }
0x60: {  	_ =	shalt  }
0x61: {  	_ =	shalt  }
0x62: {  	_ =	shalt  }
0x63: {  	_ =	shalt  }
0x64: {  	_ =	shalt  }
0x65: {  	_ =	shalt  }
0x66: {  	_ =	shalt  }
0x67: {  	_ =	shalt  }
0x68: {  	_ =	shalt  }
0x69: {  	_ =	shalt  }
0x6a: {  	_ =	shalt  }
0x6b: {  	_ =	shalt  }
0x6c: {  	_ =	shalt  }
0x6d: {  	_ =	shalt  }
0x6e: {  	_ =	shalt  }
0x6f: {  	_ =	shalt  }
0x70: {  	_ =	shalt  }
0x71: {  	_ =	shalt  }
0x72: {  	_ =	shalt  }
0x73: {  	_ =	shalt  }
0x74: {  	_ =	shalt  }
0x75: {  	_ =	shalt  }
0x76: {  	_ =	shalt  }
0x77: {  	_ =	shalt  }
0x78: {  	_ =	shalt  }
0x79: {  	_ =	shalt  }
0x7a: {  	_ =	shalt  }
0x7b: {  	_ =	shalt  }
0x7c: {  	_ =	shalt  }
0x7d: {  	_ =	shalt  }
0x7e: {  	_ =	shalt  }
0x7f: {  	_ =	shalt  }
0x80: {  	_ =	shalt  }
0x81: {  	_ =	shalt  }
0x82: {  	_ =	shalt  }
0x83: {  	_ =	shalt  }
0x84: {  	_ =	shalt  }
0x85: {  	_ =	shalt  }
0x86: {  	_ =	shalt  }
0x87: {  	_ =	shalt  }
.Lfunc_end0:
.L_simem_size_0:
called_computation.1_lowered:
.L_overlay_start_0:
0x88: {  	s2 =	sld [smem:$0x3FD9]  }
0x89: {  	s3 =	sld [smem:$0x3FFE];
	_ =	sdelay $0x1  }
0x8a: {  	s1 =	srdreg.scid  }
0x8b: {  	s0 =	sand.u32 $0x1, s1  }
0x8c: {  	s14 =	sshll.u32 s0, $0xA;
	s2 =	sadd.s32 s3, s2  }
0x8d: {  	s2 =	sadd.s32 s2, s14  }
0x8e: {  	[smem:$0x3FC5] =	sst s2  }
0x8f: {  	_ = 	snop  }
0x90: {  	s2 =	sld [smem:$0x3FD0];
	_ =	sdelay $0x1  }
0x91: {  	s15 =	sld [smem:$0x3FC8]  }
0x92: {  	s5 =	simm.s32 $0xA;
	s6 =	simm.s32 $0x10;
	s4 =	sld [smem:$0x3FC7]  }
0x93: {  	[smem:s6], [sflag:s5] =	dma.local [hbm:s2], $0x1  }
0x94: {  	_ =	swait.eq [sflag:s5], $0x1  }
0x95: {  	s16 =	sld [smem:$0x10]  }
0x96: {  	s17 =	sld [smem:$0x11];
	[sflag:s5] =	ssyncset.done $0x0  }
0x97: {  	s7 =	sld [smem:$0x12];
	[sflag:s5] =	ssyncadd.s32 $0xFFFFFFFF  }
0x98: {  	s18 =	sld [smem:$0x13];
	(tm) =	ssettm $0x1  }
0x99: {  	s8 =	sld [smem:$0x3FFB];
	_ =	sdelay $0x3  }
0x9a: {  	_ =	strace s8  }
0x9b: {  	s8 =	sld [smem:$0x3FFC];
	_ =	sdelay $0x3  }
0x9c: {  	_ =	strace s8  }
0x9d: {  	s8 =	sld [smem:$0x3FFD];
	_ =	sdelay $0x3  }
0x9e: {  	_ =	strace s8  }
0x9f: {  	_ =	strace $0x8FFFFFFF  }
0xa0: {  	s19 =	sld [smem:$0x3FDB];
	_ =	sdelay $0x1  }
0xa1: {  	s9 =	simm.s32 $_scs_section_size  }
0xa2: {  	s10 =	simm.s32 $_size__tile_overlayer_lowered;
	s11 =	simm.s32 $_tile_overlayer_lowered  }
0xa3: {  	s22 =	simm.s32 $0x1BFF;
	s21 =	sshll.u32 s11, $0x1;
	s8 =	sadd.s32 s9, s19  }
0xa4: {  	s12 =	simm.s32 $0x0;
	s20 =	sshll.u32 s10, $0x1;
	s10 =	sadd.s32 s21, s8  }
0xa5: {  	[timem:s12], [sflag:s22] =	dma.local [hbm:s10], s20  }
0xa6: {  	_ =	swait.ge [sflag:s22], s20  }
0xa7: {  	s9 =	ssub.s32 $0x0, s20;
	[sflag:s22] =	ssyncset.done $0x0  }
0xa8: {  	[sflag:s22] =	ssyncadd.s32 s9;
	_ =	sdelay $0x1  }
0xa9: {  	s23 =	simm.s32 $0x1B8B  }
0xaa: {  	_ =	swait.ge [sflag:s23], $0x1  }
0xab: {  	[sflag:s23] =	ssyncset.done $0x0  }
0xac: {  	s25 =	simm.s32 $0x1B8E;
	s24 =	sld [smem:$0x3FFE];
	[sflag:s23] =	ssyncadd.s32 $0xFFFFFFFF  }
0xad: {  	s26 =	simm.s32 $execute0_lowered;
	[smem:$0x3FD2] =	sst s25  }
0xae: {  	s10 =	sshll.u32 s26, $0x1;
	_ =	strace $0x80000046;
	[dreg:$0x1] =	wrdreg $0xFFFFFFFF  }
0xaf: {  	s28 =	simm.s32 $_size_execute0_lowered;
	s8 =	sadd.s32 s8, s10;
	[dreg:$0x0] =	wrdreg $0x0  }
0xb0: {  	s10 =	sshll.u32 s28, $0x1;
	[dreg:$0x2] =	wrdreg s8  }
0xb1: {  	[dreg:$0x3] =	wrdreg s10  }
0xb2: {  	[dreg:$0x4] =	wrdreg $0xC0  }
0xb3: {  	_ =	task [dreg:s12], $0x5FFFF  }
0xb4: {  	[dreg:$0x1] =	wrdreg $0xFFFFFFFF  }
0xb5: {  	[dreg:$0x0] =	wrdreg $0x60  }
0xb6: {  	[dreg:$0x2] =	wrdreg s24  }
0xb7: {  	[dreg:$0x3] =	wrdreg s18  }
0xb8: {  	[dreg:$0x4] =	wrdreg s15  }
0xb9: {  	[dreg:$0x5] =	wrdreg s4  }
0xba: {  	[dreg:$0x6] =	wrdreg s16  }
0xbb: {  	[dreg:$0x7] =	wrdreg s17  }
0xbc: {  	[dreg:$0x8] =	wrdreg s7  }
0xbd: {  	[dreg:$0x9] =	wrdreg $0x9  }
0xbe: {  	_ =	task.clear_ibuf [dreg:s12], $0xAFFFF;
	_ =	strace $0x90000046  }
0xbf: {  	s29 =	simm.s32 $0x9;
	_ =	strace $0x80000048  }
0xc0: {  	_ =	swait.ge [sflag:s29], $0x1  }
0xc1: {  	[sflag:s29] =	ssyncadd.s32 $0xFFFFFFFF  }
0xc2: {  	_ =	strace $0x90000048  }
0xc3: {  	_ =	sfence  }
0xc4: {  	s30 =	sld [smem:$0x0];
	_ =	sdelay $0x2  }
0xc5: {  	s31 =	sshll.u32 s1, $0xD;
	s1 =	sshrl.u32 s1, $0x2  }
0xc6: {  	s3 =	sand.u32 $0x4000, s31;
	s1 =	sadd.s32 s1, s30  }
0xc7: {  	s0 =	sor.u32 s3, s0;
	s1 =	sshll.u32 s1, $0x11  }
0xc8: {  	s0 =	sor.u32 s1, s0  }
0xc9: {  	s0 =	sadd.s32 $0x8F2B, s0  }
0xca: {  	[sflag:s0] =	ssyncadd.remote.s32 $0x1  }
0xcb: {  	_ =	sfence.sel $0xFFFF  }
0xcc: {  	[dreg:$0x0] =	wrdreg $0xFFFFFFFF;
	(pc) =	sbr.abs _section_cstart, $3  }
0xcd: {  	[dreg:$0x1] =	wrdreg $0xFFFFFFFF  }
0xce: {  	_ =	task.clear_ibuf [dreg:s12], $0x2FFFF;
	_ =	strace $0x9FFFFFFF  }
0xcf: {  	(tm) =	ssettm $0x7FFFFFFF  }
tec
execute0_lowered:
.L_overlay_start_1:
0x0: {  	(tag) =	ssettag $0x1  }
0x1: {  	s0 =	rddreg [dreg:$0x0]  }
0x2: {  	s1 =	rddreg [dreg:$0x1]  }
0x3: {  	s5 =	rddreg [dreg:$0x4]  }
0x4: {  	s6 =	rddreg [dreg:$0x5]  }
0x5: {  	s7 =	rddreg [dreg:$0x6];
	s2 =	srdreg.scid  }
0x6: {  	s9 =	simm.s32 $0x0;
	s4 =	stileid.u32;
	s14 =	simm.s32 $0x2  }
0x7: {  	s15 =	simm.s32 $0x800;
	s16 =	simm.s32 $0x7D0;
	s17 =	simm.s32 $0x1000  }
0x8: {  	s18 =	simm.s32 $0x1800;
	s19 =	simm.s32 $0x2000;
	s20 =	simm.s32 $0x2800  }
0x9: {  	s21 =	simm.s32 $0x3000;
	s22 =	simm.s32 $0x3800;
	s23 =	simm.s32 $0x1  }
0xa: {  	s24 =	simm.s32 $0x4000;
	s25 =	simm.s32 $0x5780;
	s2 =	sand.u32 $0x1, s2  }
0xb: {  	s26 =	simm.s32 $0x5F80;
	s28 =	simm.s32 $0x6780;
	s3 =	ssub.s32 $0x2, s2  }
0xc: {  	v0 =	vlaneseq.u32;
	[smem:$0x7FF] =	sst s9;
	s11 =	sshll.u32 s4, $0x1;
	s8 =	sshrl.u32 s3, $0x1  }
0xd: {  	s10 =	sadd.s32 $0x3200, s0;
	v0 =	vmul.u32 $0x3, v0;
	_ =	strace $0x80000047;
	s3 =	ssub.s32 s3, s8  }
0xe: {  	s2 =	sor.u32 s2, s11;
	s11 =	sadd.s32 $0x6400, s0;
	s31 =	smax.u32 s3, $0x1  }
0xf: {  	v3 =	vimm.s32 $0x0;
	s12 =	smul.u32 $0x186A0, s2;
	v1 =	vadd.s32 $0x1, v0;
	v2 =	vadd.s32 $0x2, v0;
	s3 =	simm.s32 $0x0;
	[dreg:$0x8] =	wrdreg s31  }
.LBB2_1:
0x10: {  	[dreg:$0x9] =	wrdreg s3;
	s30 =	simm.s32 $0x0  }
.LBB2_2:
0x11: {  	s2 =	smul.u32 $0x7D0, s30;
	_ =	sdelay $0x1  }
0x12: {  	s2 =	sadd.s32 s12, s2  }
0x13: {  	s3 =	rddreg [dreg:$0x2];
	s31 =	sshrl.u32 s2, $0x3  }
0x14: {  	s13 =	simm.s32 $0x0;
	s3 =	sadd.s32 s3, s31  }
0x15: {  	[tilespmem:s13], [sflag:$0x2] =	stream.linear.gather [hbm4b:s3+s13], $0x7D0, $0x38;
	[tilespmem:$0x6F80] =	vst v63  }
0x16: {  	_ =	swait.ge [sflag:s14], $0x7D0  }
0x17: {  	[sflag:s14] =	ssyncset.done $0x0  }
0x18: {  	[sflag:s14] =	ssyncadd.s32 $0xFFFFF830  }
0x19: {  	s8 =	rddreg [dreg:$0x3]  }
0x1a: {  	s3 =	sadd.s32 s8, s31  }
0x1b: {  	[tilespmem:s15], [sflag:$0x2] =	stream.linear.gather [hbm4b:s3+s13], $0x7D0, $0x38;
	[tilespmem:$0x6F80] =	vst v63  }
0x1c: {  	_ =	swait.ge [sflag:s14], $0x7D0  }
0x1d: {  	[sflag:s14] =	ssyncset.done $0x0  }
0x1e: {  	[sflag:s14] =	ssyncadd.s32 $0xFFFFF830  }
0x1f: {  	[tilespmem:s17], [sflag:$0x1] =	stream.indirect.gather [hbm4b:s10+s16], $0x1, s13, s16, $0xb8;
	[tilespmem:$0x6F80] =	vst v63  }
0x20: {  	_ = 	snop  }
0x21: {  	[tilespmem:s18], [sflag:$0x1] =	stream.indirect.gather [hbm4b:s0+s16], $0x1, s13, s16, $0xb8;
	[tilespmem:$0x6F80] =	vst v63  }
0x22: {  	_ = 	snop  }
0x23: {  	[tilespmem:s19], [sflag:$0x1] =	stream.indirect.gather [hbm4b:s1+s16], $0x1, s13, s16, $0xb8;
	[tilespmem:$0x6F80] =	vst v63  }
0x24: {  	_ = 	snop  }
0x25: {  	[tilespmem:s20], [sflag:$0x1] =	stream.indirect.gather [hbm4b:s10+s16], $0x1, s15, s16, $0xb8;
	[tilespmem:$0x6F80] =	vst v63  }
0x26: {  	_ = 	snop  }
0x27: {  	[tilespmem:s21], [sflag:$0x1] =	stream.indirect.gather [hbm4b:s0+s16], $0x1, s15, s16, $0xb8;
	[tilespmem:$0x6F80] =	vst v63  }
0x28: {  	_ = 	snop  }
0x29: {  	[tilespmem:s22], [sflag:$0x1] =	stream.indirect.gather [hbm4b:s1+s16], $0x1, s15, s16, $0xb8;
	[tilespmem:$0x6F80] =	vst v63  }
0x2a: {  	_ =	swait.ge [sflag:s23], $0x7D0  }
0x2b: {  	[sflag:s23] =	ssyncset.done $0x0  }
0x2c: {  	[sflag:s23] =	ssyncadd.s32 $0xFFFFF830  }
0x2d: {  	_ =	swait.ge [sflag:s23], $0x7D0  }
0x2e: {  	[sflag:s23] =	ssyncset.done $0x0  }
0x2f: {  	[sflag:s23] =	ssyncadd.s32 $0xFFFFF830  }
0x30: {  	_ =	swait.ge [sflag:s23], $0x7D0  }
0x31: {  	[sflag:s23] =	ssyncset.done $0x0  }
0x32: {  	[sflag:s23] =	ssyncadd.s32 $0xFFFFF830  }
0x33: {  	_ =	swait.ge [sflag:s23], $0x7D0  }
0x34: {  	[sflag:s23] =	ssyncset.done $0x0  }
0x35: {  	[sflag:s23] =	ssyncadd.s32 $0xFFFFF830  }
0x36: {  	_ =	swait.ge [sflag:s23], $0x7D0  }
0x37: {  	[sflag:s23] =	ssyncset.done $0x0  }
0x38: {  	[sflag:s23] =	ssyncadd.s32 $0xFFFFF830  }
0x39: {  	_ =	swait.ge [sflag:s23], $0x7D0  }
0x3a: {  	[sflag:s23] =	ssyncset.done $0x0  }
0x3b: {  	s8 =	simm.s32 $0x0;
	[sflag:s23] =	ssyncadd.s32 $0xFFFFF830  }
0x3c: {  	v4 =	vld [tilespmem:s8+$0x1800]  }
0x3d: {  	v5 =	vld [tilespmem:s8+$0x2800]  }
0x3e: {  	v6 =	vld [tilespmem:s8+$0x3000]  }
0x3f: {  	v7 =	vld [tilespmem:s8+$0x1000]  }
0x40: {  	v8 =	vld [tilespmem:s8+$0x2000]  }
0x41: {  	v9 =	vld [tilespmem:s8+$0x3800];
	_ =	sdelay $0x2  }
0x42: {  	v4 =	vsub.f32 v6, v4;
	v5 =	vsub.f32 v5, v7;
	_ =	sdelay $0x1  }
0x43: {  	v7 =	vsub.f32 v9, v8;
	v6 =	vmul.f32 v4, v4;
	v8 =	vmul.f32 v5, v5;
	_ =	sdelay $0x1  }
0x44: {  	v6 =	vadd.f32 v6, v8;
	v8 =	vmul.f32 v7, v7;
	_ =	sdelay $0x1  }
0x45: {  	v6 =	vadd.f32 v8, v6;
	_ =	sdelay $0x1  }
0x46: {  	v8 =	vshra.s32 v6, $0x1;
	v9 =	vmul.f32 $5.000000000e-01, v6  }
0x47: {  	v8 =	vsub.s32 $0x5F3759DF, v8  }
0x48: {  	v10 =	vmul.f32 v8, v9;
	_ =	sdelay $0x1  }
0x49: {  	v10 =	vmul.f32 v8, v10;
	_ =	sdelay $0x1  }
0x4a: {  	v10 =	vsub.f32 $1.500000000e+00, v10;
	_ =	sdelay $0x1  }
0x4b: {  	v8 =	vmul.f32 v8, v10;
	_ =	sdelay $0x1  }
0x4c: {  	v10 =	vmul.f32 v8, v9;
	_ =	sdelay $0x1  }
0x4d: {  	v11 =	vmov s13;
	v10 =	vmul.f32 v10, v8  }
0x4e: {  	v11 =	vmul.u32 $0x3, v11  }
0x4f: {  	v10 =	vsub.f32 $1.500000000e+00, v10  }
0x50: {  	v11 =	vbroadcast v11, $0x0  }
0x51: {  	v8 =	vmul.f32 v10, v8  }
0x52: {  	v10 =	vadd.s32 v0, v11  }
0x53: {  	v9 =	vmul.f32 v8, v9  }
0x54: {  	v12 =	vadd.s32 v1, v11  }
0x55: {  	v11 =	vadd.s32 v2, v11;
	v9 =	vmul.f32 v9, v8;
	_ =	sdelay $0x1  }
0x56: {  	[tilespmem:v10+s24+$0x0] =	vst.idx.msk $0xffff, v5;
	v5 =	vsub.f32 $1.500000000e+00, v9;
	_ =	sdelay $0x1  }
0x57: {  	[tilespmem:v12+s24+$0x0] =	vst.idx.msk $0xffff, v4;
	v4 =	vmul.f32 v5, v8  }
0x58: {  	s13 =	simm.s32 $0x10;
	[tilespmem:v11+s24+$0x0] =	vst.idx.msk $0xffff, v7  }
0x59: {  	v5 =	vld [tilespmem:s13+$0x1800];
	v4 =	vmul.f32 v4, v6  }
0x5a: {  	v7 =	vld [tilespmem:s13+$0x3000]  }
0x5b: {  	v6 =	vld [tilespmem:s13+$0x2800];
	[tilespmem:s8+$0x5780] =	vst v4;
	vm0 =	vlt.f32 v4, $5.000000000e+00;
	v4 =	vmul.f32 $2.000000030e-01, v4  }
0x5c: {  	v8 =	vld [tilespmem:s13+$0x1000];
	v9 =	vsel vm0, $0x1, v3  }
0x5d: {  	v10 =	vld [tilespmem:s13+$0x2000];
	[tilespmem:s8+$0x6780] =	vst v9;
	v4 =	vadd.f32 $-5.000000000e-01, v4  }
0x5e: {  	v9 =	vld [tilespmem:s13+$0x3800]  }
0x5f: {  	v11 =	vmul.f32 $3.141592740e+00, v4  }
0x60: {  	v4 =	vsub.f32 v7, v5  }
0x61: {  	v5 =	vsub.f32 v6, v8;
	v12 =	vmul.f32 v11, v11  }
0x62: {  	v7 =	vmul.f32 v4, v4  }
0x63: {  	v6 =	vsub.f32 v9, v10;
	v8 =	vmul.f32 v5, v5;
	v9 =	vmul.f32 $-2.505210790e-08, v12;
	_ =	sdelay $0x1  }
0x64: {  	v7 =	vadd.f32 v7, v8;
	v8 =	vmul.f32 v6, v6;
	v9 =	vadd.f32 $2.755731880e-06, v9;
	_ =	sdelay $0x1  }
0x65: {  	v7 =	vadd.f32 v8, v7;
	v9 =	vmul.f32 v9, v12;
	_ =	sdelay $0x1  }
0x66: {  	v10 =	vshra.s32 v7, $0x1;
	v8 =	vmul.f32 $5.000000000e-01, v7;
	v9 =	vadd.f32 $-1.984127010e-04, v9  }
0x67: {  	v10 =	vsub.s32 $0x5F3759DF, v10  }
0x68: {  	v13 =	vmul.f32 v10, v8;
	v9 =	vmul.f32 v9, v12;
	_ =	sdelay $0x1  }
0x69: {  	v13 =	vmul.f32 v10, v13;
	v9 =	vadd.f32 $8.333333770e-03, v9;
	_ =	sdelay $0x1  }
0x6a: {  	v13 =	vsub.f32 $1.500000000e+00, v13;
	v9 =	vmul.f32 v9, v12;
	_ =	sdelay $0x1  }
0x6b: {  	v10 =	vmul.f32 v10, v13;
	v9 =	vadd.f32 $-1.666666720e-01, v9;
	_ =	sdelay $0x1  }
0x6c: {  	v13 =	vmul.f32 v10, v8;
	v9 =	vmul.f32 v9, v12  }
0x6d: {  	s29 =	simm.s32 $0x10  }
0x6e: {  	v12 =	vmov s29;
	v13 =	vmul.f32 v13, v10;
	v9 =	vadd.f32 $1.000000000e+00, v9  }
0x6f: {  	v12 =	vmul.u32 $0x3, v12  }
0x70: {  	v13 =	vsub.f32 $1.500000000e+00, v13;
	v9 =	vmul.f32 v9, v11  }
0x71: {  	v11 =	vbroadcast v12, $0x0  }
0x72: {  	v12 =	vmul.f32 v13, v10;
	v13 =	vmul.f32 $5.000000000e-01, v9  }
0x73: {  	s3 =	simm.s32 $0x80;
	v10 =	vadd.s32 v0, v11;
	v9 =	vadd.s32 v1, v11  }
.LBB2_3:
0x74: {  	p0 =	sne.s32 s3, $0x1F00;
	v8 =	vmul.f32 v12, v8;
	v13 =	vsub.f32 $5.000000000e-01, v13;
	s4 =	smov.u32 s3;
	s3 =	sadd.s32 $0x40, s3  }
0x75: {  	v11 =	vadd.s32 v2, v11  }
0x76: {  	v8 =	vmul.f32 v8, v12;
	v13 =	vnsel vm0, $0x0, v13  }
0x77: {  	[tilespmem:s8+$0x5F80] =	vst v13;
	s8 =	smov.u32 s13  }
0x78: {  	[tilespmem:v10+s24+$0x0] =	vst.idx.msk $0xffff, v5;
	v5 =	vsub.f32 $1.500000000e+00, v8  }
0x79: {  	[tilespmem:v9+s24+$0x0] =	vst.idx.msk $0xffff, v4  }
0x7a: {  	[tilespmem:v11+s24+$0x0] =	vst.idx.msk $0xffff, v6;
	v4 =	vmul.f32 v5, v12  }
0x7b: {  	s13 =	sshra.s32 s4, $0x2  }
0x7c: {  	v5 =	vld [tilespmem:s13+$0x1800];
	v4 =	vmul.f32 v4, v7  }
0x7d: {  	v6 =	vld [tilespmem:s13+$0x2800]  }
0x7e: {  	v7 =	vld [tilespmem:s13+$0x3000];
	vm0 =	vlt.f32 v4, $5.000000000e+00;
	v8 =	vmul.f32 $2.000000030e-01, v4;
	[tilespmem:s8+$0x5780] =	vst v4  }
0x7f: {  	v9 =	vld [tilespmem:s13+$0x1000];
	v4 =	vsel vm0, $0x1, v3  }
0x80: {  	v10 =	vld [tilespmem:s13+$0x2000];
	v8 =	vadd.f32 $-5.000000000e-01, v8;
	[tilespmem:s8+$0x6780] =	vst v4  }
0x81: {  	v11 =	vld [tilespmem:s13+$0x3800]  }
0x82: {  	v12 =	vmul.f32 $3.141592740e+00, v8  }
0x83: {  	v4 =	vsub.f32 v7, v5  }
0x84: {  	v5 =	vsub.f32 v6, v9;
	v9 =	vmul.f32 v12, v12  }
0x85: {  	v7 =	vmul.f32 v4, v4  }
0x86: {  	v6 =	vsub.f32 v11, v10;
	v8 =	vmul.f32 v5, v5;
	v10 =	vmul.f32 $-2.505210790e-08, v9;
	_ =	sdelay $0x1  }
0x87: {  	v7 =	vadd.f32 v7, v8;
	v8 =	vmul.f32 v6, v6;
	v10 =	vadd.f32 $2.755731880e-06, v10;
	_ =	sdelay $0x1  }
0x88: {  	v7 =	vadd.f32 v8, v7;
	v10 =	vmul.f32 v10, v9;
	_ =	sdelay $0x1  }
0x89: {  	v11 =	vshra.s32 v7, $0x1;
	v8 =	vmul.f32 $5.000000000e-01, v7;
	v10 =	vadd.f32 $-1.984127010e-04, v10  }
0x8a: {  	v11 =	vsub.s32 $0x5F3759DF, v11  }
0x8b: {  	v13 =	vmul.f32 v11, v8;
	v10 =	vmul.f32 v10, v9;
	_ =	sdelay $0x1  }
0x8c: {  	v13 =	vmul.f32 v11, v13;
	v10 =	vadd.f32 $8.333333770e-03, v10;
	_ =	sdelay $0x1  }
0x8d: {  	v13 =	vsub.f32 $1.500000000e+00, v13;
	v10 =	vmul.f32 v10, v9;
	_ =	sdelay $0x1  }
0x8e: {  	v13 =	vmul.f32 v11, v13;
	v10 =	vadd.f32 $-1.666666720e-01, v10;
	_ =	sdelay $0x1  }
0x8f: {  	v11 =	vmul.f32 v13, v8;
	v9 =	vmul.f32 v10, v9  }
0x90: {  	s29 =	sadd.s32 $0x10, s29  }
0x91: {  	v10 =	vmov s29;
	v11 =	vmul.f32 v11, v13;
	v9 =	vadd.f32 $1.000000000e+00, v9  }
.Ltmp0:
0x92: {  	v10 =	vmul.u32 $0x3, v10;
	(pc) =	sbr.rel @p0 .LBB2_3-.Ltmp0, $4  }
0x93: {  	v14 =	vsub.f32 $1.500000000e+00, v11;
	v9 =	vmul.f32 v9, v12  }
0x94: {  	v11 =	vbroadcast v10, $0x0  }
0x95: {  	v12 =	vmul.f32 v14, v13;
	v13 =	vmul.f32 $5.000000000e-01, v9  }
0x96: {  	v10 =	vadd.s32 v0, v11;
	v9 =	vadd.s32 v1, v11  }
0x97: {  	v8 =	vmul.f32 v12, v8;
	_ =	sdelay $0x1  }
0x98: {  	v8 =	vmul.f32 v8, v12;
	_ =	sdelay $0x1  }
0x99: {  	v8 =	vsub.f32 $1.500000000e+00, v8;
	_ =	sdelay $0x1  }
0x9a: {  	v8 =	vmul.f32 v8, v12;
	_ =	sdelay $0x1  }
0x9b: {  	v7 =	vmul.f32 v8, v7;
	_ =	sdelay $0x1  }
0x9c: {  	v8 =	vmul.f32 $2.000000030e-01, v7;
	_ =	sdelay $0x1  }
0x9d: {  	v8 =	vadd.f32 $-5.000000000e-01, v8;
	_ =	sdelay $0x1  }
0x9e: {  	v8 =	vmul.f32 $3.141592740e+00, v8;
	_ =	sdelay $0x1  }
0x9f: {  	v63 =	vmul.f32 v8, v8;
	_ =	sdelay $0x1  }
0xa0: {  	v14 =	vmul.f32 $-2.505210790e-08, v63;
	_ =	sdelay $0x1  }
0xa1: {  	v14 =	vadd.f32 $2.755731880e-06, v14;
	_ =	sdelay $0x1  }
0xa2: {  	v14 =	vmul.f32 v14, v63;
	_ =	sdelay $0x1  }
0xa3: {  	v14 =	vadd.f32 $-1.984127010e-04, v14;
	_ =	sdelay $0x1  }
0xa4: {  	v14 =	vmul.f32 v14, v63;
	_ =	sdelay $0x1  }
0xa5: {  	v14 =	vadd.f32 $8.333333770e-03, v14;
	_ =	sdelay $0x1  }
0xa6: {  	v14 =	vmul.f32 v14, v63;
	_ =	sdelay $0x1  }
0xa7: {  	v14 =	vadd.f32 $-1.666666720e-01, v14;
	_ =	sdelay $0x1  }
0xa8: {  	v12 =	vmul.f32 v14, v63;
	_ =	sdelay $0x1  }
0xa9: {  	v13 =	vsub.f32 $5.000000000e-01, v13;
	v12 =	vadd.f32 $1.000000000e+00, v12  }
0xaa: {  	v11 =	vadd.s32 v2, v11  }
0xab: {  	v13 =	vnsel vm0, $0x0, v13;
	v8 =	vmul.f32 v12, v8  }
0xac: {  	[tilespmem:s8+$0x5F80] =	vst v13  }
0xad: {  	[tilespmem:v10+s24+$0x0] =	vst.idx.msk $0xffff, v5;
	v5 =	vmul.f32 $5.000000000e-01, v8  }
0xae: {  	[tilespmem:v9+s24+$0x0] =	vst.idx.msk $0xffff, v4  }
0xaf: {  	s2 =	smul.u32 $0x3, s2;
	[tilespmem:v11+s24+$0x0] =	vst.idx.msk $0xffff, v6;
	vm15 =	vlt.f32 v7, $5.000000000e+00;
	v4 =	vsub.f32 $5.000000000e-01, v5  }
0xb0: {  	[tilespmem:s13+$0x5780] =	vst v7;
	v5 =	vsel vm15, $0x1, v3  }
0xb1: {  	s2 =	sshrl.u32 s2, $0x3;
	[tilespmem:s13+$0x6780] =	vst v5;
	v4 =	vnsel vm15, $0x0, v4  }
0xb2: {  	s2 =	sadd.s32 s5, s2;
	[tilespmem:s13+$0x5F80] =	vst v4  }
0xb3: {  	[hbm4b:s2+s9] =	stream.linear.scatter [tilespmem:s24], [sflag:$0x2], $0x1770, $0x38;
	[tilespmem:$0x6F80] =	vst v63  }
0xb4: {  	_ =	swait.ge [sflag:s14], $0x1770  }
0xb5: {  	[sflag:s14] =	ssyncset.done $0x0  }
0xb6: {  	s13 =	sadd.s32 s6, s31;
	[sflag:s14] =	ssyncadd.s32 $0xFFFFE890  }
0xb7: {  	[hbm4b:s13+s9] =	stream.linear.scatter [tilespmem:s25], [sflag:$0x2], $0x7D0, $0x38;
	[tilespmem:$0x6F80] =	vst v63  }
0xb8: {  	_ =	swait.ge [sflag:s14], $0x7D0  }
0xb9: {  	[sflag:s14] =	ssyncset.done $0x0  }
0xba: {  	s29 =	sadd.s32 s7, s31;
	[sflag:s14] =	ssyncadd.s32 $0xFFFFF830  }
0xbb: {  	[hbm4b:s29+s9] =	stream.linear.scatter [tilespmem:s26], [sflag:$0x2], $0x7D0, $0x38;
	[tilespmem:$0x6F80] =	vst v63  }
0xbc: {  	s30 =	sadd.s32 $0x1, s30;
	_ =	swait.ge [sflag:s14], $0x7D0  }
0xbd: {  	p0 =	sne.s32 s30, $0x32;
	[sflag:s14] =	ssyncset.done $0x0  }
.Ltmp1:
0xbe: {  	s31 =	sadd.s32 s11, s31;
	[sflag:s14] =	ssyncadd.s32 $0xFFFFF830;
	(pc) =	sbr.rel @p0 .LBB2_2-.Ltmp1, $4  }
0xbf: {  	[hbm4b:s31+s9] =	stream.linear.scatter [tilespmem:s28], [sflag:$0x2], $0x7D0, $0x38;
	[tilespmem:$0x6F80] =	vst v63  }
0xc0: {  	_ =	swait.ge [sflag:s14], $0x7D0  }
0xc1: {  	[sflag:s14] =	ssyncset.done $0x0  }
0xc2: {  	[sflag:s14] =	ssyncadd.s32 $0xFFFFF830  }
0xc3: {  	s3 =	rddreg [dreg:$0x9]  }
0xc4: {  	s2 =	rddreg [dreg:$0x8];
	s3 =	sadd.s32 $0x1, s3  }
0xc5: {  	p0 =	sne.s32 s3, s2  }
.Ltmp2:
0xc6: {  	_ = 	snop;
	(pc) =	sbr.rel @p0 .LBB2_1-.Ltmp2, $1  }
0xc7: {  	_ =	sdelay $0x3  }
0xc8: {  	_ =	sfence.sel $0x180000  }
0xc9: {  	[bflag:$0x0] =	sbarrier.arrive $0xFFFF  }
0xca: {  	_ =	strace $0x90000047  }
0xcb: {  	s0 =	stileid.u32;
	[bflag:$0x2] =	sbarrier.arrive $0xFFFF  }
0xcc: {  	p0 =	sne.s32 s0, $0x0;
	s0 =	rddreg [dreg:$0x7]  }
0xcd: {  	s0 =	sadd.s32 @!p0 $0x100000, s0  }
0xce: {  	[sflag:s0] =	ssyncadd.tile.s32 @!p0 $0x1;
	_ =	shalt  }
.Lfunc_end2:
_tile_overlayer_lowered:
.L_overlay_start_2:
0xcf: {  	(tag) =	ssettag $0x2  }
0xd0: {  	s0 =	rddreg [dreg:$0x0];
	s2 =	stileid.u32  }
0xd1: {  	s1 =	rddreg [dreg:$0x1];
	p0 =	sne.s32 s2, $0x0  }
0xd2: {  	s3 =	rddreg [dreg:$0x2];
	[bflag:$0x3] =	sbarrier.arrive $0xFFFF;
	s2 =	simm.s32 @!p0 $0x1C02  }
0xd3: {  	[timem:s3], [sflag:s2] =	dma.local @!p0 [hbm:s0], s1  }
0xd4: {  	s0 =	simm.s32 @!p0 $0x2  }
0xd5: {  	_ =	swait.ge @!p0 [sflag:s0], s1  }
0xd6: {  	s1 =	ssub.s32 @!p0 $0x0, s1;
	[sflag:s0] =	ssyncset.done @!p0 $0x0  }
0xd7: {  	[sflag:s0] =	ssyncadd.s32 @!p0 s1  }
0xd8: {  	[bflag:$0x3] =	sbarrier.arrive $0xFFFF  }
0xd9: {  	_ =	shalt  }

// kernel: sparse-core-data-format-call.cloned.1.call-start
scs
called_computation_lowered:
.L_overlay_start_0:
0x0: {  	s2 =	sld [smem:$0x3FD9]  }
0x1: {  	s3 =	sld [smem:$0x3FFE];
	_ =	sdelay $0x1  }
0x2: {  	s1 =	srdreg.scid  }
0x3: {  	s0 =	sand.u32 $0x1, s1  }
0x4: {  	s15 =	sshll.u32 s0, $0xA;
	s2 =	sadd.s32 s3, s2  }
0x5: {  	s2 =	sadd.s32 s2, s15  }
0x6: {  	[smem:$0x3FC5] =	sst s2  }
0x7: {  	_ = 	snop  }
0x8: {  	s2 =	sld [smem:$0x3FD0];
	_ =	sdelay $0x2  }
0x9: {  	s16 =	simm.s32 $0xA;
	s4 =	simm.s32 $0x10  }
0xa: {  	[smem:s4], [sflag:s16] =	dma.local [hbm:s2], $0x1  }
0xb: {  	_ =	swait.eq [sflag:s16], $0x1  }
0xc: {  	[sflag:s16] =	ssyncset.done $0x0  }
0xd: {  	[sflag:s16] =	ssyncadd.s32 $0xFFFFFFFF  }
0xe: {  	s17 =	sld [smem:$0x10];
	(tm) =	ssettm $0x1  }
0xf: {  	s18 =	sld [smem:$0x3FFB];
	_ =	sdelay $0x3  }
0x10: {  	_ =	strace s18  }
0x11: {  	s3 =	sld [smem:$0x3FFC];
	_ =	sdelay $0x3  }
0x12: {  	_ =	strace s3  }
0x13: {  	s3 =	sld [smem:$0x3FFD];
	_ =	sdelay $0x3  }
0x14: {  	_ =	strace s3  }
0x15: {  	_ =	strace $0x8FFFFFFF  }
0x16: {  	s19 =	sld [smem:$0x3FDB];
	_ =	sdelay $0x1  }
0x17: {  	s20 =	simm.s32 $_scs_section_size  }
0x18: {  	s5 =	simm.s32 $_size__tile_overlayer_lowered;
	s6 =	simm.s32 $_tile_overlayer_lowered  }
0x19: {  	s23 =	simm.s32 $0x1BFF;
	s22 =	sshll.u32 s6, $0x1;
	s3 =	sadd.s32 s20, s19  }
0x1a: {  	s7 =	simm.s32 $0x0;
	s21 =	sshll.u32 s5, $0x1;
	s5 =	sadd.s32 s22, s3  }
0x1b: {  	[timem:s7], [sflag:s23] =	dma.local [hbm:s5], s21  }
0x1c: {  	_ =	swait.ge [sflag:s23], s21  }
0x1d: {  	s4 =	ssub.s32 $0x0, s21;
	[sflag:s23] =	ssyncset.done $0x0  }
0x1e: {  	[sflag:s23] =	ssyncadd.s32 s4;
	_ =	sdelay $0x1  }
0x1f: {  	s24 =	simm.s32 $0x1B8B  }
0x20: {  	_ =	swait.ge [sflag:s24], $0x1  }
0x21: {  	[sflag:s24] =	ssyncset.done $0x0  }
0x22: {  	s26 =	simm.s32 $0x1B8E;
	s25 =	sld [smem:$0x3FFE];
	[sflag:s24] =	ssyncadd.s32 $0xFFFFFFFF  }
0x23: {  	s27 =	simm.s32 $execute0_lowered;
	[smem:$0x3FD2] =	sst s26  }
0x24: {  	s5 =	sshll.u32 s27, $0x1;
	_ =	strace $0x80000049;
	[dreg:$0x1] =	wrdreg $0xFFFFFFFF  }
0x25: {  	s28 =	simm.s32 $_size_execute0_lowered;
	s3 =	sadd.s32 s3, s5;
	[dreg:$0x0] =	wrdreg $0x0  }
0x26: {  	s5 =	sshll.u32 s28, $0x1;
	[dreg:$0x2] =	wrdreg s3  }
0x27: {  	[dreg:$0x3] =	wrdreg s5  }
0x28: {  	[dreg:$0x4] =	wrdreg $0xC0  }
0x29: {  	_ =	task [dreg:s7], $0x5FFFF  }
0x2a: {  	[dreg:$0x1] =	wrdreg $0xFFFFFFFF  }
0x2b: {  	[dreg:$0x0] =	wrdreg $0x60  }
0x2c: {  	[dreg:$0x2] =	wrdreg s25  }
0x2d: {  	[dreg:$0x3] =	wrdreg s17  }
0x2e: {  	[dreg:$0x4] =	wrdreg $0x9  }
0x2f: {  	_ =	task.clear_ibuf [dreg:s7], $0x5FFFF;
	_ =	strace $0x90000049  }
0x30: {  	s29 =	simm.s32 $0x9;
	_ =	strace $0x8000004B  }
0x31: {  	_ =	swait.ge [sflag:s29], $0x1  }
0x32: {  	[sflag:s29] =	ssyncadd.s32 $0xFFFFFFFF  }
0x33: {  	_ =	strace $0x9000004B  }
0x34: {  	_ =	sfence  }
0x35: {  	s30 =	sld [smem:$0x0];
	_ =	sdelay $0x2  }
0x36: {  	s31 =	sshll.u32 s1, $0xD;
	s1 =	sshrl.u32 s1, $0x2  }
0x37: {  	s3 =	sand.u32 $0x4000, s31;
	s1 =	sadd.s32 s1, s30  }
0x38: {  	s0 =	sor.u32 s3, s0;
	s1 =	sshll.u32 s1, $0x11  }
0x39: {  	s0 =	sor.u32 s1, s0  }
0x3a: {  	s0 =	sadd.s32 $0x8F2B, s0  }
0x3b: {  	[sflag:s0] =	ssyncadd.remote.s32 $0x1  }
0x3c: {  	_ =	sfence.sel $0xFFFF  }
0x3d: {  	[dreg:$0x0] =	wrdreg $0xFFFFFFFF;
	(pc) =	sbr.abs _section_cstart, $3  }
0x3e: {  	[dreg:$0x1] =	wrdreg $0xFFFFFFFF  }
0x3f: {  	_ =	task.clear_ibuf [dreg:s7], $0x2FFFF;
	_ =	strace $0x9FFFFFFF  }
0x40: {  	(tm) =	ssettm $0x7FFFFFFF  }
0x41: {  	_ =	shalt  }
tec
execute0_lowered:
.L_overlay_start_1:
0x0: {  	(tag) =	ssettag $0x1  }
0x1: {  	s0 =	srdreg.scid  }
0x2: {  	s5 =	rddreg [dreg:$0x0];
	s1 =	sshll.u32 s0, $0x4  }
0x3: {  	s2 =	rddreg [dreg:$0x1];
	s0 =	stileid.u32;
	s1 =	sand.u32 $0x10, s1  }
0x4: {  	s4 =	simm.s32 $0x1;
	s8 =	simm.s32 $0x2;
	s1 =	sor.u32 s0, s1  }
0x5: {  	s12 =	simm.s32 $0x0;
	s9 =	simm.s32 $0x0;
	s3 =	sshll.u32 s1, $0x7  }
0x6: {  	s11 =	simm.s32 $0x0;
	s5 =	sadd.s32 $0x68000, s5;
	s6 =	ssub.s32 $0x30D400, s3  }
.Ltmp0:
0x7: {  	s1 =	rddreg [dreg:$0x2];
	s7 =	sand.u32 $0xF80, s6;
	(pc) =	sbr.rel .LBB1_1-.Ltmp0, $4  }
0x8: {  	_ =	strace $0x8000004A;
	p0 =	sne.s32 s7, $0x0;
	s7 =	simm.s32 $0x1  }
0x9: {  	[sflag:s4] =	ssyncpa.u1 $0x0;
	s6 =	sshrl.u32 s6, $0xC;
	s7 =	simm.s32 @!p0 $0x0  }
0xa: {  	s10 =	smov.u32 s3;
	[sflag:s8] =	ssyncpa.u1 $0x0;
	s6 =	sadd.s32 s7, s6  }
0xb: {  	s8 =	simm.s32 $0xC35000;
	p0 =	por $0x0, $0x0;
	s7 =	sadd.s32 $0x1, s6  }
.LBB1_4:
0xc: {  	s15 =	sshll.u32 s9, $0x2  }
0xd: {  	p1 =	sgt.s32 s9, $0x30D380;
	s16 =	sshrl.u32 s15, $0xA  }
0xe: {  	s17 =	smov.u32 s9;
	s18 =	sshra.s32 s9, $0x1F;
	s16 =	smulhi.u32 $0x53E2D7, s16  }
0xf: {  	s19 =	sand.u32 $0x7F, s9;
	s17 =	simm.s32 @!p1 $0x30D380;
	s18 =	sand.u32 s18, s9  }
0x10: {  	s15 =	sand.u32 $0xFFFFFE00, s15;
	s17 =	ssub.s32 s17, s18;
	s16 =	sshrl.u32 s16, $0x2  }
0x11: {  	s17 =	sadd.s32 $0xFFCF2C80, s17;
	s26 =	smul.u32 $0x30D400, s16  }
0x12: {  	s15 =	sor.u32 s19, s15;
	s27 =	sshll.u32 s17, $0x4;
	s16 =	sand.u32 $0x3, s16  }
0x13: {  	s28 =	ssub.s32 $0x800, s27;
	s16 =	smul.u32 $0x61A80, s16;
	s15 =	ssub.s32 s15, s26  }
0x14: {  	p1 =	sgt.s32 s17, $0x7F;
	s17 =	sshrl.u32 s28, $0x2;
	s29 =	sand.u32 $0x7, s15  }
0x15: {  	s15 =	sshrl.u32 s15, $0x3;
	s16 =	sadd.s32 s2, s16;
	s18 =	sshll.u32 s29, $0x12  }
0x16: {  	[tilespmem:s14+$0x0 ss:$0x81] =	vst.msk $0xffff, v0;
	s17 =	simm.s32 @p1 $0x0;
	s30 =	sadd.s32 s15, s16;
	s31 =	sor.u32 $0x200, s18  }
0x17: {  	[hbm4b:s30+s31] =	stream.strided.scatter [tilespmem:s13], [sflag:$0x2], s17, s8, s31, $0x20;
	[tilespmem:$0x4040] =	vst v63  }
.LBB1_5:
0x18: {  	p1 =	slt.u32 s11, $0x2  }
0x19: {  	p2 =	sgt.s32 @!p1 s12, $0x30D380  }
0x1a: {  	s13 =	smov.u32 s12;
	s14 =	sshra.s32 @!p1 s12, $0x1F;
	p2 =	por !p2, p1  }
0x1b: {  	s12 =	sand.u32 @!p1 s14, s12;
	s13 =	simm.s32 @p2 $0x30D380  }
0x1c: {  	s12 =	ssub.s32 @!p1 s13, s12  }
0x1d: {  	s12 =	sadd.s32 @!p1 $0xFFCF2C80, s12  }
0x1e: {  	s13 =	sshll.u32 @!p1 s12, $0x4  }
0x1f: {  	p2 =	sgt.s32 @!p1 s12, $0x7F;
	s12 =	ssub.s32 @!p1 $0x800, s13  }
0x20: {  	s14 =	sadd.s32 $0x1000, s10;
	p2 =	por !p2, p1;
	s12 =	sshrl.u32 @!p1 s12, $0x2  }
0x21: {  	s12 =	simm.s32 @!p2 $0x0;
	p2 =	sgt.s32 s14, $0x30D3FF  }
0x22: {  	s14 =	smov.u32 @p2 s3;
	p2 =	sne.s32 s11, s7  }
.Ltmp1:
0x23: {  	_ = 	snop;
	(pc) =	sbr.rel @!p2 .LBB1_6-.Ltmp1, $4  }
0x24: {  	s13 =	simm.s32 @!p1 $0x2  }
0x25: {  	p0 =	por !p0, !p0;
	_ =	swait.ge @!p1 [sflag:s13], s12;
	s15 =	ssub.s32 @!p1 $0x0, s12  }
0x26: {  	s12 =	smov.u32 s9;
	s11 =	sadd.s32 $0x1, s11;
	[sflag:s13] =	ssyncset.done @!p1 $0x0  }
0x27: {  	s9 =	smov.u32 s10;
	s10 =	smov.u32 s14;
	[sflag:s13] =	ssyncadd.s32 @!p1 s15  }
.LBB1_1:
0x28: {  	p1 =	sge.u32 s11, s6  }
0x29: {  	s13 =	sand.u32 @!p1 $0x1FFFFFF, s10  }
0x2a: {  	s14 =	smulhi.u32 @!p1 $0x14F8B59, s13;
	_ =	sdelay $0x1  }
0x2b: {  	s14 =	sshrl.u32 @!p1 s14, $0xE  }
0x2c: {  	s14 =	smul.u32 @!p1 $0x30D400, s14;
	_ =	sdelay $0x1  }
0x2d: {  	s31 =	sadd.s32 $0xFFFFFFFF, s11;
	s15 =	sxor.u32 @!p1 $0xFFFFFFFF, s11;
	s13 =	ssub.s32 @!p1 s13, s14  }
0x2e: {  	s16 =	simm.s32 @!p1 $0x80;
	s15 =	sshll.u32 @!p1 s15, $0xC;
	s13 =	sshll.u32 @!p1 s13, $0x4  }
0x2f: {  	s14 =	sand.u32 @!p1 $0x1000, s15;
	s15 =	simm.s32 @!p1 $0x20;
	s13 =	sadd.s32 @!p1 s5, s13  }
0x30: {  	[tilespmem:s14], [sflag:$0x1] =	stream.strided.gather @!p1 [hbm4b:s13+s15], $0x1000, s16, s15, $0x38;
	[tilespmem:$0x4040] =	vst v63  }
0x31: {  	p1 =	sge.u32 s31, s6  }
.Ltmp2:
0x32: {  	_ = 	snop;
	(pc) =	sbr.rel @p1 .LBB1_5-.Ltmp2, $1  }
0x33: {  	_ =	sdelay $0x3  }
0x34: {  	s13 =	simm.s32 $0x1  }
0x35: {  	_ =	swait.ge [sflag:s4], $0x1000;
	s13 =	simm.s32 @!p0 $0x0  }
0x36: {  	[sflag:s4] =	ssyncset.done $0x0;
	s14 =	sshll.u32 s13, $0xC  }
0x37: {  	[sflag:s4] =	ssyncadd.s32 $0xFFFFF000;
	s17 =	sor.u32 $0x10, s14  }
0x38: {  	s13 =	smul.u32 $0x4080, s13;
	v1 =	vld [tilespmem:s17+$0x0]  }
0x39: {  	s30 =	sand.u32 $0x1, s11;
	v0 =	vld [tilespmem:s17+$0xFFFFFFF0]  }
0x3a: {  	s14 =	smul.u32 $0x4080, s30;
	s13 =	sshrl.u32 s13, $0x2  }
0x3b: {  	s15 =	sor.u32 $0x2000, s13  }
0x3c: {  	s31 =	sshrl.u32 s14, $0x2;
	s14 =	sadd.s32 $0x0, s15  }
0x3d: {  	s16 =	simm.s32 $0x4;
	s17 =	sadd.s32 $0x20, s17;
	s13 =	sor.u32 $0x2000, s31;
	[tilespmem:s14+$0x810 ss:$0x81] =	vst.msk $0xffff, v1  }
.LBB1_3:
0x3e: {  	v1 =	vld [tilespmem:s17+$0x0];
	p1 =	sne.s32 s16, $0x1FC;
	[tilespmem:s14+$0x0 ss:$0x81] =	vst.msk $0xffff, v0;
	s14 =	smov.u32 s16;
	s16 =	sadd.s32 $0x4, s16  }
.Ltmp3:
0x3f: {  	v0 =	vld [tilespmem:s17+$0xFFFFFFF0];
	(pc) =	sbr.rel @p1 .LBB1_3-.Ltmp3, $4  }
0x40: {  	_ = 	snop  }
0x41: {  	s14 =	sshra.s32 s14, $0x2  }
0x42: {  	s14 =	sadd.s32 s14, s15  }
0x43: {  	s17 =	sadd.s32 $0x20, s17;
	[tilespmem:s14+$0x810 ss:$0x81] =	vst.msk $0xffff, v1  }
.Ltmp4:
0x44: {  	_ = 	snop;
	(pc) =	sbr.rel .LBB1_4-.Ltmp4, $1  }
0x45: {  	_ =	sdelay $0x3  }
.LBB1_6:
0x46: {  	_ =	sfence.sel $0x180000  }
0x47: {  	s2 =	simm.s32 $0x1;
	[bflag:$0x0] =	sbarrier.arrive $0xFFFF  }
0x48: {  	s31 =	simm.s32 $0x2;
	[sflag:s2] =	ssyncpa.u1 $0x1  }
0x49: {  	[sflag:s31] =	ssyncpa.u1 $0x1  }
0x4a: {  	p0 =	sne.s32 s0, $0x0;
	_ =	strace $0x9000004A  }
0x4b: {  	s0 =	sadd.s32 @!p0 $0x100000, s1;
	[bflag:$0x2] =	sbarrier.arrive $0xFFFF  }
0x4c: {  	[sflag:s0] =	ssyncadd.tile.s32 @!p0 $0x1;
	_ =	shalt  }
.Lfunc_end1:
_tile_overlayer_lowered:
.L_overlay_start_2:
0x4d: {  	(tag) =	ssettag $0x2  }
0x4e: {  	s0 =	rddreg [dreg:$0x0];
	s2 =	stileid.u32  }
0x4f: {  	s1 =	rddreg [dreg:$0x1];
	p0 =	sne.s32 s2, $0x0  }
0x50: {  	s3 =	rddreg [dreg:$0x2];
	[bflag:$0x3] =	sbarrier.arrive $0xFFFF;
	s2 =	simm.s32 @!p0 $0x1C01  }
0x51: {  	[timem:s3], [sflag:s2] =	dma.local @!p0 [hbm:s0], s1  }
0x52: {  	s0 =	simm.s32 @!p0 $0x1  }
0x53: {  	_ =	swait.ge @!p0 [sflag:s0], s1  }
0x54: {  	s1 =	ssub.s32 @!p0 $0x0, s1;
	[sflag:s0] =	ssyncset.done @!p0 $0x0  }
0x55: {  	[sflag:s0] =	ssyncadd.s32 @!p0 s1  }
0x56: {  	[bflag:$0x3] =	sbarrier.arrive $0xFFFF  }
0x57: {  	_ =	shalt  }

</sc_bundles>
